<compile_context>
chip_gen: v7x
topology: tpu7x:2x2x1
jax: 0.10.2.dev20260603
libtpu: 0.0.44.dev20260713+nightly
codegen_flags: <defaults>
</compile_context>

<pallas_src>
import functools

import jax
import jax.numpy as jnp
from jax import lax
from jax.experimental import pallas as pl
from jax.experimental.pallas import tpu as pltpu
from jax.experimental.pallas import tpu_sc as plsc

VOCAB = 1000
EMB = 32
EPAD = 128
T = 8
BATCH = 16384

NC = 2
NS = 16
NW = NC * NS
ROWS = BATCH * T
BPW = ROWS // NW
CHUNK = 128
NCH = BPW // CHUNK

_sc_mesh = plsc.VectorSubcoreMesh(core_axis_name="c", subcore_axis_name="s")


@functools.partial(
    pl.kernel,
    mesh=_sc_mesh,
    out_type=jax.ShapeDtypeStruct((ROWS, EPAD), jnp.float32),
    scratch_types=[
        pltpu.VMEM((BPW,), jnp.int32),
        pltpu.VMEM((CHUNK, EPAD), jnp.float32),
        pltpu.VMEM((CHUNK, EPAD), jnp.float32),
        pltpu.SemaphoreType.DMA,
        pltpu.SemaphoreType.DMA,
        pltpu.SemaphoreType.DMA,
        pltpu.SemaphoreType.DMA,
    ],
)
def _sc_gather(tok_hbm, idx_hbm, out_hbm, idx_v, rows0, rows1, g0, g1, w0, w1):
    wid = lax.axis_index("s") * NC + lax.axis_index("c")
    base = wid * BPW
    pltpu.sync_copy(idx_hbm.at[pl.ds(base, BPW)], idx_v)

    rows = (rows0, rows1)
    gsem = (g0, g1)
    wsem = (w0, w1)

    def g_copy(c, b):
        return pltpu.make_async_copy(
            tok_hbm.at[idx_v.at[pl.ds(c * CHUNK, CHUNK)]], rows[b], gsem[b]
        )

    def w_copy(c, b):
        return pltpu.make_async_copy(
            rows[b], out_hbm.at[pl.ds(base + c * CHUNK, CHUNK)], wsem[b]
        )

    g_copy(0, 0).start()
    g_copy(0, 0).wait()
    w_copy(0, 0).start()
    g_copy(1, 1).start()

    for c in range(1, NCH - 1):
        g_copy(c, c & 1).wait()
        w_copy(c, c & 1).start()
        w_copy(c - 1, (c - 1) & 1).wait()
        g_copy(c + 1, (c + 1) & 1).start()

    c = NCH - 1
    g_copy(c, c & 1).wait()
    w_copy(c, c & 1).start()
    w_copy(c - 1, (c - 1) & 1).wait()
    w_copy(c, c & 1).wait()


def _proj_body(x_ref, pos_ref, w_ref, b_ref, out_ref):
    r = x_ref.shape[0]
    x = x_ref[...] + pos_ref[...][None]
    logits = jnp.dot(
        x.reshape(r * T, EPAD), w_ref[...], preferred_element_type=jnp.float32
    )
    out_ref[...] = logits.reshape(r, T, VOCAB) + b_ref[...][None]


RB = 64


def _project(x3, pos_p, Wp, b):
    return pl.pallas_call(
        _proj_body,
        grid=(BATCH // RB,),
        in_specs=[
            pl.BlockSpec((RB, T, EPAD), lambda i: (i, 0, 0)),
            pl.BlockSpec((T, EPAD), lambda i: (0, 0)),
            pl.BlockSpec((EPAD, VOCAB), lambda i: (0, 0)),
            pl.BlockSpec((1, VOCAB), lambda i: (0, 0)),
        ],
        out_specs=pl.BlockSpec((RB, T, VOCAB), lambda i: (i, 0, 0)),
        out_shape=jax.ShapeDtypeStruct((BATCH, T, VOCAB), jnp.float32),
        compiler_params=pltpu.CompilerParams(
            dimension_semantics=("arbitrary",),
        ),
    )(x3, pos_p, Wp, b.reshape(1, VOCAB))


def kernel(idx, tok_table, pos_table, W, b):
    idx_flat = idx.reshape(ROWS).astype(jnp.int32)
    tok_p = jnp.pad(tok_table, ((0, 0), (0, EPAD - EMB)))
    pos_p = jnp.pad(pos_table, ((0, 0), (0, EPAD - EMB)))
    Wp = jnp.pad(W, ((0, EPAD - EMB), (0, 0)))
    x = _sc_gather(tok_p, idx_flat)
    return _project(x.reshape(BATCH, T, EPAD), pos_p, Wp, b)

# --- scband reference (transcript-rebuilt; emitter-appended) ---
"""Pipeline reference for scband-bigram-language-model-46660524704489 (READ-ONLY COPY).

The authoritative reference and input builder live on the scoring server;
editing this copy changes nothing except your own understanding.
"""

import jax, jax.numpy as jnp
import numpy as np

VOCAB_SIZE = 1000
N_EMBED = 32
BLOCK_SIZE = 8
BATCH = 16384


def setup_inputs(seed: int = 0) -> dict:
    key = jax.random.key(seed)
    k_idx, k_tok, k_pos, k_w, k_b = jax.random.split(key, 5)
    idx = jax.random.randint(k_idx, (BATCH, BLOCK_SIZE), 0, VOCAB_SIZE, dtype=jnp.int64 if jax.config.jax_enable_x64 else jnp.int32)
    tok_table = jax.random.normal(k_tok, (VOCAB_SIZE, N_EMBED), dtype=jnp.float32)
    pos_table = jax.random.normal(k_pos, (BLOCK_SIZE, N_EMBED), dtype=jnp.float32)
    W = jax.random.normal(k_w, (N_EMBED, VOCAB_SIZE), dtype=jnp.float32) * (1.0 / np.sqrt(N_EMBED))
    b = jnp.zeros((VOCAB_SIZE,), dtype=jnp.float32)
    return {"idx": idx, "tok_table": tok_table, "pos_table": pos_table, "W": W, "b": b}


def reference(idx, tok_table, pos_table, W, b):
    B, T = idx.shape
    # token embedding lookup (gather)
    tok_emb = jnp.take(tok_table, idx, axis=0)            # [B, T, C]
    # position embedding lookup
    pos_emb = jnp.take(pos_table, jnp.arange(T), axis=0)  # [T, C]
    x = tok_emb + pos_emb[None, :, :]                     # [B, T, C]
    logits = jnp.einsum('btc,cv->btv', x, W) + b          # [B, T, V]
    return logits

if __name__ == "__main__":
    import jax
    _d = setup_inputs()
    print(jax.jit(kernel)(*tuple(_d.values())))

</pallas_src>

<mosaic_0001>
#map = affine_map<(d0, d1) -> (0, 0)>
#map1 = affine_map<(d0, d1) -> (0)>
module attributes {stable_mosaic.version = 14 : i64} {
  func.func @_sc_gather(%arg0: i32, %arg1: i32, %arg2: memref<1000x128xf32, #tpu.memory_space<hbm>>, %arg3: memref<131072xi32, #tpu.memory_space<hbm>>, %arg4: memref<131072x128xf32, #tpu.memory_space<hbm>>, %arg5: memref<4096xi32, #tpu.memory_space<vmem>>, %arg6: memref<128x128xf32, #tpu.memory_space<vmem>>, %arg7: memref<128x128xf32, #tpu.memory_space<vmem>>, %arg8: memref<!tpu.dma_semaphore, #tpu.memory_space<semaphore_mem>>, %arg9: memref<!tpu.dma_semaphore, #tpu.memory_space<semaphore_mem>>, %arg10: memref<!tpu.dma_semaphore, #tpu.memory_space<semaphore_mem>>, %arg11: memref<!tpu.dma_semaphore, #tpu.memory_space<semaphore_mem>>) attributes {dimension_semantics = [#tpu.dimension_semantics<core_parallel>, #tpu.dimension_semantics<subcore_parallel>], iteration_bounds = array<i64: 2, 16>, scalar_prefetch = 0 : i64, scratch_operands = 7 : i64, tpu.core_type = #tpu.core_type<sc_vector_subcore>, window_params = [{transform_indices = #map}, {transform_indices = #map1}, {transform_indices = #map}]} {
    %mul3A = arith.constant 2 : i32
    %mul3A_0 = arith.muli %arg1, %mul3A : i32
    %add3A = arith.addi %mul3A_0, %arg0 : i32
    %mul3A_1 = arith.constant 4096 : i32
    %mul3A_2 = arith.muli %add3A, %mul3A_1 : i32
    "tpu.region"() ({
      %run_scoped3A = tpu.sem_alloc : memref<!tpu.dma_semaphore, #tpu.memory_space<semaphore_mem>>
      %dma_start3A_705 = tpu.memref_slice %arg3[%mul3A_2] : memref<131072xi32, #tpu.memory_space<hbm>> -> memref<4096xi32, #tpu.memory_space<hbm>>
      %dma_start3A_706 = tpu.memref_slice %arg3[%mul3A_2] : memref<131072xi32, #tpu.memory_space<hbm>> -> memref<4096xi32, #tpu.memory_space<hbm>>
      tpu.enqueue_dma source(%dma_start3A_706 : memref<4096xi32, #tpu.memory_space<hbm>>) target(%arg5 : memref<4096xi32, #tpu.memory_space<vmem>>) target_semaphore(%run_scoped3A : memref<!tpu.dma_semaphore, #tpu.memory_space<semaphore_mem>>)
      %dma_wait3A_707 = tpu.memref_slice %arg3[%mul3A_2] : memref<131072xi32, #tpu.memory_space<hbm>> -> memref<4096xi32, #tpu.memory_space<hbm>>
      %dma_wait3A_708 = tpu.memref_slice %arg3[%mul3A_2] : memref<131072xi32, #tpu.memory_space<hbm>> -> memref<4096xi32, #tpu.memory_space<hbm>>
      tpu.wait_dma2 semaphore(%run_scoped3A : memref<!tpu.dma_semaphore, #tpu.memory_space<semaphore_mem>>) src(%dma_wait3A_708 : memref<4096xi32, #tpu.memory_space<hbm>>) dst(%arg5 : memref<4096xi32, #tpu.memory_space<vmem>>)
      tpu.yield
    }) : () -> ()
    %dma_start3A = arith.constant 0 : i32
    %dma_start3A_3 = tpu.memref_slice %arg5[%dma_start3A] : memref<4096xi32, #tpu.memory_space<vmem>> -> memref<128xi32, #tpu.memory_space<vmem>>
    %dma_start3A_4 = arith.constant 0 : i32
    %dma_start3A_5 = arith.constant 0 : i32
    %dma_start3A_6 = tpu.memref_slice %arg2[%dma_start3A_4, %dma_start3A_5] : memref<1000x128xf32, #tpu.memory_space<hbm>> -> memref<1000x128xf32, #tpu.memory_space<hbm>>
    tpu.enqueue_indirect_dma source(%dma_start3A_6 : memref<1000x128xf32, #tpu.memory_space<hbm>>) target(%arg6 : memref<128x128xf32, #tpu.memory_space<vmem>>) offsets(%dma_start3A_3 : memref<128xi32, #tpu.memory_space<vmem>>) semaphore(%arg8 : memref<!tpu.dma_semaphore, #tpu.memory_space<semaphore_mem>>)
    %dma_wait3A = arith.constant 0 : i32
    %dma_wait3A_7 = tpu.memref_slice %arg5[%dma_wait3A] : memref<4096xi32, #tpu.memory_space<vmem>> -> memref<128xi32, #tpu.memory_space<vmem>>
    %dma_wait3A_8 = arith.constant 0 : i32
    %dma_wait3A_9 = arith.constant 0 : i32
    %dma_wait3A_10 = tpu.memref_slice %arg2[%dma_wait3A_8, %dma_wait3A_9] : memref<1000x128xf32, #tpu.memory_space<hbm>> -> memref<1000x128xf32, #tpu.memory_space<hbm>>
    tpu.wait_indirect_dma semaphore(%arg8 : memref<!tpu.dma_semaphore, #tpu.memory_space<semaphore_mem>>) src(%dma_wait3A_10 : memref<1000x128xf32, #tpu.memory_space<hbm>>) dst(%arg6 : memref<128x128xf32, #tpu.memory_space<vmem>>)
    %add3A_11 = arith.constant 0 : i32
    %add3A_12 = arith.addi %mul3A_2, %add3A_11 : i32
    %dma_start3A_13 = arith.constant 0 : i32
    %dma_start3A_14 = tpu.memref_slice %arg4[%add3A_12, %dma_start3A_13] : memref<131072x128xf32, #tpu.memory_space<hbm>> -> memref<128x128xf32, #tpu.memory_space<hbm>>
    %dma_start3A_15 = arith.constant 0 : i32
    %dma_start3A_16 = tpu.memref_slice %arg4[%add3A_12, %dma_start3A_15] : memref<131072x128xf32, #tpu.memory_space<hbm>> -> memref<128x128xf32, #tpu.memory_space<hbm>>
    tpu.enqueue_dma source(%arg6 : memref<128x128xf32, #tpu.memory_space<vmem>>) target(%dma_start3A_16 : memref<128x128xf32, #tpu.memory_space<hbm>>) target_semaphore(%arg10 : memref<!tpu.dma_semaphore, #tpu.memory_space<semaphore_mem>>)
    %dma_start3A_17 = arith.constant 128 : i32
    %dma_start3A_18 = tpu.memref_slice %arg5[%dma_start3A_17] : memref<4096xi32, #tpu.memory_space<vmem>> -> memref<128xi32, #tpu.memory_space<vmem>>
    %dma_start3A_19 = arith.constant 0 : i32
    %dma_start3A_20 = arith.constant 0 : i32
    %dma_start3A_21 = tpu.memref_slice %arg2[%dma_start3A_19, %dma_start3A_20] : memref<1000x128xf32, #tpu.memory_space<hbm>> -> memref<1000x128xf32, #tpu.memory_space<hbm>>
    tpu.enqueue_indirect_dma source(%dma_start3A_21 : memref<1000x128xf32, #tpu.memory_space<hbm>>) target(%arg7 : memref<128x128xf32, #tpu.memory_space<vmem>>) offsets(%dma_start3A_18 : memref<128xi32, #tpu.memory_space<vmem>>) semaphore(%arg9 : memref<!tpu.dma_semaphore, #tpu.memory_space<semaphore_mem>>)
    %dma_wait3A_22 = arith.constant 128 : i32
    %dma_wait3A_23 = tpu.memref_slice %arg5[%dma_wait3A_22] : memref<4096xi32, #tpu.memory_space<vmem>> -> memref<128xi32, #tpu.memory_space<vmem>>
    %dma_wait3A_24 = arith.constant 0 : i32
    %dma_wait3A_25 = arith.constant 0 : i32
    %dma_wait3A_26 = tpu.memref_slice %arg2[%dma_wait3A_24, %dma_wait3A_25] : memref<1000x128xf32, #tpu.memory_space<hbm>> -> memref<1000x128xf32, #tpu.memory_space<hbm>>
    tpu.wait_indirect_dma semaphore(%arg9 : memref<!tpu.dma_semaphore, #tpu.memory_space<semaphore_mem>>) src(%dma_wait3A_26 : memref<1000x128xf32, #tpu.memory_space<hbm>>) dst(%arg7 : memref<128x128xf32, #tpu.memory_space<vmem>>)
    %add3A_27 = arith.constant 128 : i32
    %add3A_28 = arith.addi %mul3A_2, %add3A_27 : i32
    %dma_start3A_29 = arith.constant 0 : i32
    %dma_start3A_30 = tpu.memref_slice %arg4[%add3A_28, %dma_start3A_29] : memref<131072x128xf32, #tpu.memory_space<hbm>> -> memref<128x128xf32, #tpu.memory_space<hbm>>
    %dma_start3A_31 = arith.constant 0 : i32
    %dma_start3A_32 = tpu.memref_slice %arg4[%add3A_28, %dma_start3A_31] : memref<131072x128xf32, #tpu.memory_space<hbm>> -> memref<128x128xf32, #tpu.memory_space<hbm>>
    tpu.enqueue_dma source(%arg7 : memref<128x128xf32, #tpu.memory_space<vmem>>) target(%dma_start3A_32 : memref<128x128xf32, #tpu.memory_space<hbm>>) target_semaphore(%arg11 : memref<!tpu.dma_semaphore, #tpu.memory_space<semaphore_mem>>)
    %add3A_33 = arith.constant 0 : i32
    %add3A_34 = arith.addi %mul3A_2, %add3A_33 : i32
    %dma_wait3A_35 = arith.constant 0 : i32
    %dma_wait3A_36 = tpu.memref_slice %arg4[%add3A_34, %dma_wait3A_35] : memref<131072x128xf32, #tpu.memory_space<hbm>> -> memref<128x128xf32, #tpu.memory_space<hbm>>
    %dma_wait3A_37 = arith.constant 0 : i32
    %dma_wait3A_38 = tpu.memref_slice %arg4[%add3A_34, %dma_wait3A_37] : memref<131072x128xf32, #tpu.memory_space<hbm>> -> memref<128x128xf32, #tpu.memory_space<hbm>>
    tpu.wait_dma2 semaphore(%arg10 : memref<!tpu.dma_semaphore, #tpu.memory_space<semaphore_mem>>) src(%arg6 : memref<128x128xf32, #tpu.memory_space<vmem>>) dst(%dma_wait3A_38 : memref<128x128xf32, #tpu.memory_space<hbm>>)
    %dma_start3A_39 = arith.constant 256 : i32
    %dma_start3A_40 = tpu.memref_slice %arg5[%dma_start3A_39] : memref<4096xi32, #tpu.memory_space<vmem>> -> memref<128xi32, #tpu.memory_space<vmem>>
    %dma_start3A_41 = arith.constant 0 : i32
    %dma_start3A_42 = arith.constant 0 : i32
    %dma_start3A_43 = tpu.memref_slice %arg2[%dma_start3A_41, %dma_start3A_42] : memref<1000x128xf32, #tpu.memory_space<hbm>> -> memref<1000x128xf32, #tpu.memory_space<hbm>>
    tpu.enqueue_indirect_dma source(%dma_start3A_43 : memref<1000x128xf32, #tpu.memory_space<hbm>>) target(%arg6 : memref<128x128xf32, #tpu.memory_space<vmem>>) offsets(%dma_start3A_40 : memref<128xi32, #tpu.memory_space<vmem>>) semaphore(%arg8 : memref<!tpu.dma_semaphore, #tpu.memory_space<semaphore_mem>>)
    %dma_wait3A_44 = arith.constant 256 : i32
    %dma_wait3A_45 = tpu.memref_slice %arg5[%dma_wait3A_44] : memref<4096xi32, #tpu.memory_space<vmem>> -> memref<128xi32, #tpu.memory_space<vmem>>
    %dma_wait3A_46 = arith.constant 0 : i32
    %dma_wait3A_47 = arith.constant 0 : i32
    %dma_wait3A_48 = tpu.memref_slice %arg2[%dma_wait3A_46, %dma_wait3A_47] : memref<1000x128xf32, #tpu.memory_space<hbm>> -> memref<1000x128xf32, #tpu.memory_space<hbm>>
    tpu.wait_indirect_dma semaphore(%arg8 : memref<!tpu.dma_semaphore, #tpu.memory_space<semaphore_mem>>) src(%dma_wait3A_48 : memref<1000x128xf32, #tpu.memory_space<hbm>>) dst(%arg6 : memref<128x128xf32, #tpu.memory_space<vmem>>)
    %add3A_49 = arith.constant 256 : i32
    %add3A_50 = arith.addi %mul3A_2, %add3A_49 : i32
    %dma_start3A_51 = arith.constant 0 : i32
    %dma_start3A_52 = tpu.memref_slice %arg4[%add3A_50, %dma_start3A_51] : memref<131072x128xf32, #tpu.memory_space<hbm>> -> memref<128x128xf32, #tpu.memory_space<hbm>>
    %dma_start3A_53 = arith.constant 0 : i32
    %dma_start3A_54 = tpu.memref_slice %arg4[%add3A_50, %dma_start3A_53] : memref<131072x128xf32, #tpu.memory_space<hbm>> -> memref<128x128xf32, #tpu.memory_space<hbm>>
    tpu.enqueue_dma source(%arg6 : memref<128x128xf32, #tpu.memory_space<vmem>>) target(%dma_start3A_54 : memref<128x128xf32, #tpu.memory_space<hbm>>) target_semaphore(%arg10 : memref<!tpu.dma_semaphore, #tpu.memory_space<semaphore_mem>>)
    %add3A_55 = arith.constant 128 : i32
    %add3A_56 = arith.addi %mul3A_2, %add3A_55 : i32
    %dma_wait3A_57 = arith.constant 0 : i32
    %dma_wait3A_58 = tpu.memref_slice %arg4[%add3A_56, %dma_wait3A_57] : memref<131072x128xf32, #tpu.memory_space<hbm>> -> memref<128x128xf32, #tpu.memory_space<hbm>>
    %dma_wait3A_59 = arith.constant 0 : i32
    %dma_wait3A_60 = tpu.memref_slice %arg4[%add3A_56, %dma_wait3A_59] : memref<131072x128xf32, #tpu.memory_space<hbm>> -> memref<128x128xf32, #tpu.memory_space<hbm>>
    tpu.wait_dma2 semaphore(%arg11 : memref<!tpu.dma_semaphore, #tpu.memory_space<semaphore_mem>>) src(%arg7 : memref<128x128xf32, #tpu.memory_space<vmem>>) dst(%dma_wait3A_60 : memref<128x128xf32, #tpu.memory_space<hbm>>)
    %dma_start3A_61 = arith.constant 384 : i32
    %dma_start3A_62 = tpu.memref_slice %arg5[%dma_start3A_61] : memref<4096xi32, #tpu.memory_space<vmem>> -> memref<128xi32, #tpu.memory_space<vmem>>
    %dma_start3A_63 = arith.constant 0 : i32
    %dma_start3A_64 = arith.constant 0 : i32
    %dma_start3A_65 = tpu.memref_slice %arg2[%dma_start3A_63, %dma_start3A_64] : memref<1000x128xf32, #tpu.memory_space<hbm>> -> memref<1000x128xf32, #tpu.memory_space<hbm>>
    tpu.enqueue_indirect_dma source(%dma_start3A_65 : memref<1000x128xf32, #tpu.memory_space<hbm>>) target(%arg7 : memref<128x128xf32, #tpu.memory_space<vmem>>) offsets(%dma_start3A_62 : memref<128xi32, #tpu.memory_space<vmem>>) semaphore(%arg9 : memref<!tpu.dma_semaphore, #tpu.memory_space<semaphore_mem>>)
    %dma_wait3A_66 = arith.constant 384 : i32
    %dma_wait3A_67 = tpu.memref_slice %arg5[%dma_wait3A_66] : memref<4096xi32, #tpu.memory_space<vmem>> -> memref<128xi32, #tpu.memory_space<vmem>>
    %dma_wait3A_68 = arith.constant 0 : i32
    %dma_wait3A_69 = arith.constant 0 : i32
    %dma_wait3A_70 = tpu.memref_slice %arg2[%dma_wait3A_68, %dma_wait3A_69] : memref<1000x128xf32, #tpu.memory_space<hbm>> -> memref<1000x128xf32, #tpu.memory_space<hbm>>
    tpu.wait_indirect_dma semaphore(%arg9 : memref<!tpu.dma_semaphore, #tpu.memory_space<semaphore_mem>>) src(%dma_wait3A_70 : memref<1000x128xf32, #tpu.memory_space<hbm>>) dst(%arg7 : memref<128x128xf32, #tpu.memory_space<vmem>>)
    %add3A_71 = arith.constant 384 : i32
    %add3A_72 = arith.addi %mul3A_2, %add3A_71 : i32
    %dma_start3A_73 = arith.constant 0 : i32
    %dma_start3A_74 = tpu.memref_slice %arg4[%add3A_72, %dma_start3A_73] : memref<131072x128xf32, #tpu.memory_space<hbm>> -> memref<128x128xf32, #tpu.memory_space<hbm>>
    %dma_start3A_75 = arith.constant 0 : i32
    %dma_start3A_76 = tpu.memref_slice %arg4[%add3A_72, %dma_start3A_75] : memref<131072x128xf32, #tpu.memory_space<hbm>> -> memref<128x128xf32, #tpu.memory_space<hbm>>
    tpu.enqueue_dma source(%arg7 : memref<128x128xf32, #tpu.memory_space<vmem>>) target(%dma_start3A_76 : memref<128x128xf32, #tpu.memory_space<hbm>>) target_semaphore(%arg11 : memref<!tpu.dma_semaphore, #tpu.memory_space<semaphore_mem>>)
    %add3A_77 = arith.constant 256 : i32
    %add3A_78 = arith.addi %mul3A_2, %add3A_77 : i32
    %dma_wait3A_79 = arith.constant 0 : i32
    %dma_wait3A_80 = tpu.memref_slice %arg4[%add3A_78, %dma_wait3A_79] : memref<131072x128xf32, #tpu.memory_space<hbm>> -> memref<128x128xf32, #tpu.memory_space<hbm>>
    %dma_wait3A_81 = arith.constant 0 : i32
    %dma_wait3A_82 = tpu.memref_slice %arg4[%add3A_78, %dma_wait3A_81] : memref<131072x128xf32, #tpu.memory_space<hbm>> -> memref<128x128xf32, #tpu.memory_space<hbm>>
    tpu.wait_dma2 semaphore(%arg10 : memref<!tpu.dma_semaphore, #tpu.memory_space<semaphore_mem>>) src(%arg6 : memref<128x128xf32, #tpu.memory_space<vmem>>) dst(%dma_wait3A_82 : memref<128x128xf32, #tpu.memory_space<hbm>>)
    %dma_start3A_83 = arith.constant 512 : i32
    %dma_start3A_84 = tpu.memref_slice %arg5[%dma_start3A_83] : memref<4096xi32, #tpu.memory_space<vmem>> -> memref<128xi32, #tpu.memory_space<vmem>>
    %dma_start3A_85 = arith.constant 0 : i32
    %dma_start3A_86 = arith.constant 0 : i32
    %dma_start3A_87 = tpu.memref_slice %arg2[%dma_start3A_85, %dma_start3A_86] : memref<1000x128xf32, #tpu.memory_space<hbm>> -> memref<1000x128xf32, #tpu.memory_space<hbm>>
    tpu.enqueue_indirect_dma source(%dma_start3A_87 : memref<1000x128xf32, #tpu.memory_space<hbm>>) target(%arg6 : memref<128x128xf32, #tpu.memory_space<vmem>>) offsets(%dma_start3A_84 : memref<128xi32, #tpu.memory_space<vmem>>) semaphore(%arg8 : memref<!tpu.dma_semaphore, #tpu.memory_space<semaphore_mem>>)
    %dma_wait3A_88 = arith.constant 512 : i32
    %dma_wait3A_89 = tpu.memref_slice %arg5[%dma_wait3A_88] : memref<4096xi32, #tpu.memory_space<vmem>> -> memref<128xi32, #tpu.memory_space<vmem>>
    %dma_wait3A_90 = arith.constant 0 : i32
    %dma_wait3A_91 = arith.constant 0 : i32
    %dma_wait3A_92 = tpu.memref_slice %arg2[%dma_wait3A_90, %dma_wait3A_91] : memref<1000x128xf32, #tpu.memory_space<hbm>> -> memref<1000x128xf32, #tpu.memory_space<hbm>>
    tpu.wait_indirect_dma semaphore(%arg8 : memref<!tpu.dma_semaphore, #tpu.memory_space<semaphore_mem>>) src(%dma_wait3A_92 : memref<1000x128xf32, #tpu.memory_space<hbm>>) dst(%arg6 : memref<128x128xf32, #tpu.memory_space<vmem>>)
    %add3A_93 = arith.constant 512 : i32
    %add3A_94 = arith.addi %mul3A_2, %add3A_93 : i32
    %dma_start3A_95 = arith.constant 0 : i32
    %dma_start3A_96 = tpu.memref_slice %arg4[%add3A_94, %dma_start3A_95] : memref<131072x128xf32, #tpu.memory_space<hbm>> -> memref<128x128xf32, #tpu.memory_space<hbm>>
    %dma_start3A_97 = arith.constant 0 : i32
    %dma_start3A_98 = tpu.memref_slice %arg4[%add3A_94, %dma_start3A_97] : memref<131072x128xf32, #tpu.memory_space<hbm>> -> memref<128x128xf32, #tpu.memory_space<hbm>>
    tpu.enqueue_dma source(%arg6 : memref<128x128xf32, #tpu.memory_space<vmem>>) target(%dma_start3A_98 : memref<128x128xf32, #tpu.memory_space<hbm>>) target_semaphore(%arg10 : memref<!tpu.dma_semaphore, #tpu.memory_space<semaphore_mem>>)
    %add3A_99 = arith.constant 384 : i32
    %add3A_100 = arith.addi %mul3A_2, %add3A_99 : i32
    %dma_wait3A_101 = arith.constant 0 : i32
    %dma_wait3A_102 = tpu.memref_slice %arg4[%add3A_100, %dma_wait3A_101] : memref<131072x128xf32, #tpu.memory_space<hbm>> -> memref<128x128xf32, #tpu.memory_space<hbm>>
    %dma_wait3A_103 = arith.constant 0 : i32
    %dma_wait3A_104 = tpu.memref_slice %arg4[%add3A_100, %dma_wait3A_103] : memref<131072x128xf32, #tpu.memory_space<hbm>> -> memref<128x128xf32, #tpu.memory_space<hbm>>
    tpu.wait_dma2 semaphore(%arg11 : memref<!tpu.dma_semaphore, #tpu.memory_space<semaphore_mem>>) src(%arg7 : memref<128x128xf32, #tpu.memory_space<vmem>>) dst(%dma_wait3A_104 : memref<128x128xf32, #tpu.memory_space<hbm>>)
    %dma_start3A_105 = arith.constant 640 : i32
    %dma_start3A_106 = tpu.memref_slice %arg5[%dma_start3A_105] : memref<4096xi32, #tpu.memory_space<vmem>> -> memref<128xi32, #tpu.memory_space<vmem>>
    %dma_start3A_107 = arith.constant 0 : i32
    %dma_start3A_108 = arith.constant 0 : i32
    %dma_start3A_109 = tpu.memref_slice %arg2[%dma_start3A_107, %dma_start3A_108] : memref<1000x128xf32, #tpu.memory_space<hbm>> -> memref<1000x128xf32, #tpu.memory_space<hbm>>
    tpu.enqueue_indirect_dma source(%dma_start3A_109 : memref<1000x128xf32, #tpu.memory_space<hbm>>) target(%arg7 : memref<128x128xf32, #tpu.memory_space<vmem>>) offsets(%dma_start3A_106 : memref<128xi32, #tpu.memory_space<vmem>>) semaphore(%arg9 : memref<!tpu.dma_semaphore, #tpu.memory_space<semaphore_mem>>)
    %dma_wait3A_110 = arith.constant 640 : i32
    %dma_wait3A_111 = tpu.memref_slice %arg5[%dma_wait3A_110] : memref<4096xi32, #tpu.memory_space<vmem>> -> memref<128xi32, #tpu.memory_space<vmem>>
    %dma_wait3A_112 = arith.constant 0 : i32
    %dma_wait3A_113 = arith.constant 0 : i32
    %dma_wait3A_114 = tpu.memref_slice %arg2[%dma_wait3A_112, %dma_wait3A_113] : memref<1000x128xf32, #tpu.memory_space<hbm>> -> memref<1000x128xf32, #tpu.memory_space<hbm>>
    tpu.wait_indirect_dma semaphore(%arg9 : memref<!tpu.dma_semaphore, #tpu.memory_space<semaphore_mem>>) src(%dma_wait3A_114 : memref<1000x128xf32, #tpu.memory_space<hbm>>) dst(%arg7 : memref<128x128xf32, #tpu.memory_space<vmem>>)
    %add3A_115 = arith.constant 640 : i32
    %add3A_116 = arith.addi %mul3A_2, %add3A_115 : i32
    %dma_start3A_117 = arith.constant 0 : i32
    %dma_start3A_118 = tpu.memref_slice %arg4[%add3A_116, %dma_start3A_117] : memref<131072x128xf32, #tpu.memory_space<hbm>> -> memref<128x128xf32, #tpu.memory_space<hbm>>
    %dma_start3A_119 = arith.constant 0 : i32
    %dma_start3A_120 = tpu.memref_slice %arg4[%add3A_116, %dma_start3A_119] : memref<131072x128xf32, #tpu.memory_space<hbm>> -> memref<128x128xf32, #tpu.memory_space<hbm>>
    tpu.enqueue_dma source(%arg7 : memref<128x128xf32, #tpu.memory_space<vmem>>) target(%dma_start3A_120 : memref<128x128xf32, #tpu.memory_space<hbm>>) target_semaphore(%arg11 : memref<!tpu.dma_semaphore, #tpu.memory_space<semaphore_mem>>)
    %add3A_121 = arith.constant 512 : i32
    %add3A_122 = arith.addi %mul3A_2, %add3A_121 : i32
    %dma_wait3A_123 = arith.constant 0 : i32
    %dma_wait3A_124 = tpu.memref_slice %arg4[%add3A_122, %dma_wait3A_123] : memref<131072x128xf32, #tpu.memory_space<hbm>> -> memref<128x128xf32, #tpu.memory_space<hbm>>
    %dma_wait3A_125 = arith.constant 0 : i32
    %dma_wait3A_126 = tpu.memref_slice %arg4[%add3A_122, %dma_wait3A_125] : memref<131072x128xf32, #tpu.memory_space<hbm>> -> memref<128x128xf32, #tpu.memory_space<hbm>>
    tpu.wait_dma2 semaphore(%arg10 : memref<!tpu.dma_semaphore, #tpu.memory_space<semaphore_mem>>) src(%arg6 : memref<128x128xf32, #tpu.memory_space<vmem>>) dst(%dma_wait3A_126 : memref<128x128xf32, #tpu.memory_space<hbm>>)
    %dma_start3A_127 = arith.constant 768 : i32
    %dma_start3A_128 = tpu.memref_slice %arg5[%dma_start3A_127] : memref<4096xi32, #tpu.memory_space<vmem>> -> memref<128xi32, #tpu.memory_space<vmem>>
    %dma_start3A_129 = arith.constant 0 : i32
    %dma_start3A_130 = arith.constant 0 : i32
    %dma_start3A_131 = tpu.memref_slice %arg2[%dma_start3A_129, %dma_start3A_130] : memref<1000x128xf32, #tpu.memory_space<hbm>> -> memref<1000x128xf32, #tpu.memory_space<hbm>>
    tpu.enqueue_indirect_dma source(%dma_start3A_131 : memref<1000x128xf32, #tpu.memory_space<hbm>>) target(%arg6 : memref<128x128xf32, #tpu.memory_space<vmem>>) offsets(%dma_start3A_128 : memref<128xi32, #tpu.memory_space<vmem>>) semaphore(%arg8 : memref<!tpu.dma_semaphore, #tpu.memory_space<semaphore_mem>>)
    %dma_wait3A_132 = arith.constant 768 : i32
    %dma_wait3A_133 = tpu.memref_slice %arg5[%dma_wait3A_132] : memref<4096xi32, #tpu.memory_space<vmem>> -> memref<128xi32, #tpu.memory_space<vmem>>
    %dma_wait3A_134 = arith.constant 0 : i32
    %dma_wait3A_135 = arith.constant 0 : i32
    %dma_wait3A_136 = tpu.memref_slice %arg2[%dma_wait3A_134, %dma_wait3A_135] : memref<1000x128xf32, #tpu.memory_space<hbm>> -> memref<1000x128xf32, #tpu.memory_space<hbm>>
    tpu.wait_indirect_dma semaphore(%arg8 : memref<!tpu.dma_semaphore, #tpu.memory_space<semaphore_mem>>) src(%dma_wait3A_136 : memref<1000x128xf32, #tpu.memory_space<hbm>>) dst(%arg6 : memref<128x128xf32, #tpu.memory_space<vmem>>)
    %add3A_137 = arith.constant 768 : i32
    %add3A_138 = arith.addi %mul3A_2, %add3A_137 : i32
    %dma_start3A_139 = arith.constant 0 : i32
    %dma_start3A_140 = tpu.memref_slice %arg4[%add3A_138, %dma_start3A_139] : memref<131072x128xf32, #tpu.memory_space<hbm>> -> memref<128x128xf32, #tpu.memory_space<hbm>>
    %dma_start3A_141 = arith.constant 0 : i32
    %dma_start3A_142 = tpu.memref_slice %arg4[%add3A_138, %dma_start3A_141] : memref<131072x128xf32, #tpu.memory_space<hbm>> -> memref<128x128xf32, #tpu.memory_space<hbm>>
    tpu.enqueue_dma source(%arg6 : memref<128x128xf32, #tpu.memory_space<vmem>>) target(%dma_start3A_142 : memref<128x128xf32, #tpu.memory_space<hbm>>) target_semaphore(%arg10 : memref<!tpu.dma_semaphore, #tpu.memory_space<semaphore_mem>>)
    %add3A_143 = arith.constant 640 : i32
    %add3A_144 = arith.addi %mul3A_2, %add3A_143 : i32
    %dma_wait3A_145 = arith.constant 0 : i32
    %dma_wait3A_146 = tpu.memref_slice %arg4[%add3A_144, %dma_wait3A_145] : memref<131072x128xf32, #tpu.memory_space<hbm>> -> memref<128x128xf32, #tpu.memory_space<hbm>>
    %dma_wait3A_147 = arith.constant 0 : i32
    %dma_wait3A_148 = tpu.memref_slice %arg4[%add3A_144, %dma_wait3A_147] : memref<131072x128xf32, #tpu.memory_space<hbm>> -> memref<128x128xf32, #tpu.memory_space<hbm>>
    tpu.wait_dma2 semaphore(%arg11 : memref<!tpu.dma_semaphore, #tpu.memory_space<semaphore_mem>>) src(%arg7 : memref<128x128xf32, #tpu.memory_space<vmem>>) dst(%dma_wait3A_148 : memref<128x128xf32, #tpu.memory_space<hbm>>)
    %dma_start3A_149 = arith.constant 896 : i32
    %dma_start3A_150 = tpu.memref_slice %arg5[%dma_start3A_149] : memref<4096xi32, #tpu.memory_space<vmem>> -> memref<128xi32, #tpu.memory_space<vmem>>
    %dma_start3A_151 = arith.constant 0 : i32
    %dma_start3A_152 = arith.constant 0 : i32
    %dma_start3A_153 = tpu.memref_slice %arg2[%dma_start3A_151, %dma_start3A_152] : memref<1000x128xf32, #tpu.memory_space<hbm>> -> memref<1000x128xf32, #tpu.memory_space<hbm>>
    tpu.enqueue_indirect_dma source(%dma_start3A_153 : memref<1000x128xf32, #tpu.memory_space<hbm>>) target(%arg7 : memref<128x128xf32, #tpu.memory_space<vmem>>) offsets(%dma_start3A_150 : memref<128xi32, #tpu.memory_space<vmem>>) semaphore(%arg9 : memref<!tpu.dma_semaphore, #tpu.memory_space<semaphore_mem>>)
    %dma_wait3A_154 = arith.constant 896 : i32
    %dma_wait3A_155 = tpu.memref_slice %arg5[%dma_wait3A_154] : memref<4096xi32, #tpu.memory_space<vmem>> -> memref<128xi32, #tpu.memory_space<vmem>>
    %dma_wait3A_156 = arith.constant 0 : i32
    %dma_wait3A_157 = arith.constant 0 : i32
    %dma_wait3A_158 = tpu.memref_slice %arg2[%dma_wait3A_156, %dma_wait3A_157] : memref<1000x128xf32, #tpu.memory_space<hbm>> -> memref<1000x128xf32, #tpu.memory_space<hbm>>
    tpu.wait_indirect_dma semaphore(%arg9 : memref<!tpu.dma_semaphore, #tpu.memory_space<semaphore_mem>>) src(%dma_wait3A_158 : memref<1000x128xf32, #tpu.memory_space<hbm>>) dst(%arg7 : memref<128x128xf32, #tpu.memory_space<vmem>>)
    %add3A_159 = arith.constant 896 : i32
    %add3A_160 = arith.addi %mul3A_2, %add3A_159 : i32
    %dma_start3A_161 = arith.constant 0 : i32
    %dma_start3A_162 = tpu.memref_slice %arg4[%add3A_160, %dma_start3A_161] : memref<131072x128xf32, #tpu.memory_space<hbm>> -> memref<128x128xf32, #tpu.memory_space<hbm>>
    %dma_start3A_163 = arith.constant 0 : i32
    %dma_start3A_164 = tpu.memref_slice %arg4[%add3A_160, %dma_start3A_163] : memref<131072x128xf32, #tpu.memory_space<hbm>> -> memref<128x128xf32, #tpu.memory_space<hbm>>
    tpu.enqueue_dma source(%arg7 : memref<128x128xf32, #tpu.memory_space<vmem>>) target(%dma_start3A_164 : memref<128x128xf32, #tpu.memory_space<hbm>>) target_semaphore(%arg11 : memref<!tpu.dma_semaphore, #tpu.memory_space<semaphore_mem>>)
    %add3A_165 = arith.constant 768 : i32
    %add3A_166 = arith.addi %mul3A_2, %add3A_165 : i32
    %dma_wait3A_167 = arith.constant 0 : i32
    %dma_wait3A_168 = tpu.memref_slice %arg4[%add3A_166, %dma_wait3A_167] : memref<131072x128xf32, #tpu.memory_space<hbm>> -> memref<128x128xf32, #tpu.memory_space<hbm>>
    %dma_wait3A_169 = arith.constant 0 : i32
    %dma_wait3A_170 = tpu.memref_slice %arg4[%add3A_166, %dma_wait3A_169] : memref<131072x128xf32, #tpu.memory_space<hbm>> -> memref<128x128xf32, #tpu.memory_space<hbm>>
    tpu.wait_dma2 semaphore(%arg10 : memref<!tpu.dma_semaphore, #tpu.memory_space<semaphore_mem>>) src(%arg6 : memref<128x128xf32, #tpu.memory_space<vmem>>) dst(%dma_wait3A_170 : memref<128x128xf32, #tpu.memory_space<hbm>>)
    %dma_start3A_171 = arith.constant 1024 : i32
    %dma_start3A_172 = tpu.memref_slice %arg5[%dma_start3A_171] : memref<4096xi32, #tpu.memory_space<vmem>> -> memref<128xi32, #tpu.memory_space<vmem>>
    %dma_start3A_173 = arith.constant 0 : i32
    %dma_start3A_174 = arith.constant 0 : i32
    %dma_start3A_175 = tpu.memref_slice %arg2[%dma_start3A_173, %dma_start3A_174] : memref<1000x128xf32, #tpu.memory_space<hbm>> -> memref<1000x128xf32, #tpu.memory_space<hbm>>
    tpu.enqueue_indirect_dma source(%dma_start3A_175 : memref<1000x128xf32, #tpu.memory_space<hbm>>) target(%arg6 : memref<128x128xf32, #tpu.memory_space<vmem>>) offsets(%dma_start3A_172 : memref<128xi32, #tpu.memory_space<vmem>>) semaphore(%arg8 : memref<!tpu.dma_semaphore, #tpu.memory_space<semaphore_mem>>)
    %dma_wait3A_176 = arith.constant 1024 : i32
    %dma_wait3A_177 = tpu.memref_slice %arg5[%dma_wait3A_176] : memref<4096xi32, #tpu.memory_space<vmem>> -> memref<128xi32, #tpu.memory_space<vmem>>
    %dma_wait3A_178 = arith.constant 0 : i32
    %dma_wait3A_179 = arith.constant 0 : i32
    %dma_wait3A_180 = tpu.memref_slice %arg2[%dma_wait3A_178, %dma_wait3A_179] : memref<1000x128xf32, #tpu.memory_space<hbm>> -> memref<1000x128xf32, #tpu.memory_space<hbm>>
    tpu.wait_indirect_dma semaphore(%arg8 : memref<!tpu.dma_semaphore, #tpu.memory_space<semaphore_mem>>) src(%dma_wait3A_180 : memref<1000x128xf32, #tpu.memory_space<hbm>>) dst(%arg6 : memref<128x128xf32, #tpu.memory_space<vmem>>)
    %add3A_181 = arith.constant 1024 : i32
    %add3A_182 = arith.addi %mul3A_2, %add3A_181 : i32
    %dma_start3A_183 = arith.constant 0 : i32
    %dma_start3A_184 = tpu.memref_slice %arg4[%add3A_182, %dma_start3A_183] : memref<131072x128xf32, #tpu.memory_space<hbm>> -> memref<128x128xf32, #tpu.memory_space<hbm>>
    %dma_start3A_185 = arith.constant 0 : i32
    %dma_start3A_186 = tpu.memref_slice %arg4[%add3A_182, %dma_start3A_185] : memref<131072x128xf32, #tpu.memory_space<hbm>> -> memref<128x128xf32, #tpu.memory_space<hbm>>
    tpu.enqueue_dma source(%arg6 : memref<128x128xf32, #tpu.memory_space<vmem>>) target(%dma_start3A_186 : memref<128x128xf32, #tpu.memory_space<hbm>>) target_semaphore(%arg10 : memref<!tpu.dma_semaphore, #tpu.memory_space<semaphore_mem>>)
    %add3A_187 = arith.constant 896 : i32
    %add3A_188 = arith.addi %mul3A_2, %add3A_187 : i32
    %dma_wait3A_189 = arith.constant 0 : i32
    %dma_wait3A_190 = tpu.memref_slice %arg4[%add3A_188, %dma_wait3A_189] : memref<131072x128xf32, #tpu.memory_space<hbm>> -> memref<128x128xf32, #tpu.memory_space<hbm>>
    %dma_wait3A_191 = arith.constant 0 : i32
    %dma_wait3A_192 = tpu.memref_slice %arg4[%add3A_188, %dma_wait3A_191] : memref<131072x128xf32, #tpu.memory_space<hbm>> -> memref<128x128xf32, #tpu.memory_space<hbm>>
    tpu.wait_dma2 semaphore(%arg11 : memref<!tpu.dma_semaphore, #tpu.memory_space<semaphore_mem>>) src(%arg7 : memref<128x128xf32, #tpu.memory_space<vmem>>) dst(%dma_wait3A_192 : memref<128x128xf32, #tpu.memory_space<hbm>>)
    %dma_start3A_193 = arith.constant 1152 : i32
    %dma_start3A_194 = tpu.memref_slice %arg5[%dma_start3A_193] : memref<4096xi32, #tpu.memory_space<vmem>> -> memref<128xi32, #tpu.memory_space<vmem>>
    %dma_start3A_195 = arith.constant 0 : i32
    %dma_start3A_196 = arith.constant 0 : i32
    %dma_start3A_197 = tpu.memref_slice %arg2[%dma_start3A_195, %dma_start3A_196] : memref<1000x128xf32, #tpu.memory_space<hbm>> -> memref<1000x128xf32, #tpu.memory_space<hbm>>
    tpu.enqueue_indirect_dma source(%dma_start3A_197 : memref<1000x128xf32, #tpu.memory_space<hbm>>) target(%arg7 : memref<128x128xf32, #tpu.memory_space<vmem>>) offsets(%dma_start3A_194 : memref<128xi32, #tpu.memory_space<vmem>>) semaphore(%arg9 : memref<!tpu.dma_semaphore, #tpu.memory_space<semaphore_mem>>)
    %dma_wait3A_198 = arith.constant 1152 : i32
    %dma_wait3A_199 = tpu.memref_slice %arg5[%dma_wait3A_198] : memref<4096xi32, #tpu.memory_space<vmem>> -> memref<128xi32, #tpu.memory_space<vmem>>
    %dma_wait3A_200 = arith.constant 0 : i32
    %dma_wait3A_201 = arith.constant 0 : i32
    %dma_wait3A_202 = tpu.memref_slice %arg2[%dma_wait3A_200, %dma_wait3A_201] : memref<1000x128xf32, #tpu.memory_space<hbm>> -> memref<1000x128xf32, #tpu.memory_space<hbm>>
    tpu.wait_indirect_dma semaphore(%arg9 : memref<!tpu.dma_semaphore, #tpu.memory_space<semaphore_mem>>) src(%dma_wait3A_202 : memref<1000x128xf32, #tpu.memory_space<hbm>>) dst(%arg7 : memref<128x128xf32, #tpu.memory_space<vmem>>)
    %add3A_203 = arith.constant 1152 : i32
    %add3A_204 = arith.addi %mul3A_2, %add3A_203 : i32
    %dma_start3A_205 = arith.constant 0 : i32
    %dma_start3A_206 = tpu.memref_slice %arg4[%add3A_204, %dma_start3A_205] : memref<131072x128xf32, #tpu.memory_space<hbm>> -> memref<128x128xf32, #tpu.memory_space<hbm>>
    %dma_start3A_207 = arith.constant 0 : i32
    %dma_start3A_208 = tpu.memref_slice %arg4[%add3A_204, %dma_start3A_207] : memref<131072x128xf32, #tpu.memory_space<hbm>> -> memref<128x128xf32, #tpu.memory_space<hbm>>
    tpu.enqueue_dma source(%arg7 : memref<128x128xf32, #tpu.memory_space<vmem>>) target(%dma_start3A_208 : memref<128x128xf32, #tpu.memory_space<hbm>>) target_semaphore(%arg11 : memref<!tpu.dma_semaphore, #tpu.memory_space<semaphore_mem>>)
    %add3A_209 = arith.constant 1024 : i32
    %add3A_210 = arith.addi %mul3A_2, %add3A_209 : i32
    %dma_wait3A_211 = arith.constant 0 : i32
    %dma_wait3A_212 = tpu.memref_slice %arg4[%add3A_210, %dma_wait3A_211] : memref<131072x128xf32, #tpu.memory_space<hbm>> -> memref<128x128xf32, #tpu.memory_space<hbm>>
    %dma_wait3A_213 = arith.constant 0 : i32
    %dma_wait3A_214 = tpu.memref_slice %arg4[%add3A_210, %dma_wait3A_213] : memref<131072x128xf32, #tpu.memory_space<hbm>> -> memref<128x128xf32, #tpu.memory_space<hbm>>
    tpu.wait_dma2 semaphore(%arg10 : memref<!tpu.dma_semaphore, #tpu.memory_space<semaphore_mem>>) src(%arg6 : memref<128x128xf32, #tpu.memory_space<vmem>>) dst(%dma_wait3A_214 : memref<128x128xf32, #tpu.memory_space<hbm>>)
    %dma_start3A_215 = arith.constant 1280 : i32
    %dma_start3A_216 = tpu.memref_slice %arg5[%dma_start3A_215] : memref<4096xi32, #tpu.memory_space<vmem>> -> memref<128xi32, #tpu.memory_space<vmem>>
    %dma_start3A_217 = arith.constant 0 : i32
    %dma_start3A_218 = arith.constant 0 : i32
    %dma_start3A_219 = tpu.memref_slice %arg2[%dma_start3A_217, %dma_start3A_218] : memref<1000x128xf32, #tpu.memory_space<hbm>> -> memref<1000x128xf32, #tpu.memory_space<hbm>>
    tpu.enqueue_indirect_dma source(%dma_start3A_219 : memref<1000x128xf32, #tpu.memory_space<hbm>>) target(%arg6 : memref<128x128xf32, #tpu.memory_space<vmem>>) offsets(%dma_start3A_216 : memref<128xi32, #tpu.memory_space<vmem>>) semaphore(%arg8 : memref<!tpu.dma_semaphore, #tpu.memory_space<semaphore_mem>>)
    %dma_wait3A_220 = arith.constant 1280 : i32
    %dma_wait3A_221 = tpu.memref_slice %arg5[%dma_wait3A_220] : memref<4096xi32, #tpu.memory_space<vmem>> -> memref<128xi32, #tpu.memory_space<vmem>>
    %dma_wait3A_222 = arith.constant 0 : i32
    %dma_wait3A_223 = arith.constant 0 : i32
    %dma_wait3A_224 = tpu.memref_slice %arg2[%dma_wait3A_222, %dma_wait3A_223] : memref<1000x128xf32, #tpu.memory_space<hbm>> -> memref<1000x128xf32, #tpu.memory_space<hbm>>
    tpu.wait_indirect_dma semaphore(%arg8 : memref<!tpu.dma_semaphore, #tpu.memory_space<semaphore_mem>>) src(%dma_wait3A_224 : memref<1000x128xf32, #tpu.memory_space<hbm>>) dst(%arg6 : memref<128x128xf32, #tpu.memory_space<vmem>>)
    %add3A_225 = arith.constant 1280 : i32
    %add3A_226 = arith.addi %mul3A_2, %add3A_225 : i32
    %dma_start3A_227 = arith.constant 0 : i32
    %dma_start3A_228 = tpu.memref_slice %arg4[%add3A_226, %dma_start3A_227] : memref<131072x128xf32, #tpu.memory_space<hbm>> -> memref<128x128xf32, #tpu.memory_space<hbm>>
    %dma_start3A_229 = arith.constant 0 : i32
    %dma_start3A_230 = tpu.memref_slice %arg4[%add3A_226, %dma_start3A_229] : memref<131072x128xf32, #tpu.memory_space<hbm>> -> memref<128x128xf32, #tpu.memory_space<hbm>>
    tpu.enqueue_dma source(%arg6 : memref<128x128xf32, #tpu.memory_space<vmem>>) target(%dma_start3A_230 : memref<128x128xf32, #tpu.memory_space<hbm>>) target_semaphore(%arg10 : memref<!tpu.dma_semaphore, #tpu.memory_space<semaphore_mem>>)
    %add3A_231 = arith.constant 1152 : i32
    %add3A_232 = arith.addi %mul3A_2, %add3A_231 : i32
    %dma_wait3A_233 = arith.constant 0 : i32
    %dma_wait3A_234 = tpu.memref_slice %arg4[%add3A_232, %dma_wait3A_233] : memref<131072x128xf32, #tpu.memory_space<hbm>> -> memref<128x128xf32, #tpu.memory_space<hbm>>
    %dma_wait3A_235 = arith.constant 0 : i32
    %dma_wait3A_236 = tpu.memref_slice %arg4[%add3A_232, %dma_wait3A_235] : memref<131072x128xf32, #tpu.memory_space<hbm>> -> memref<128x128xf32, #tpu.memory_space<hbm>>
    tpu.wait_dma2 semaphore(%arg11 : memref<!tpu.dma_semaphore, #tpu.memory_space<semaphore_mem>>) src(%arg7 : memref<128x128xf32, #tpu.memory_space<vmem>>) dst(%dma_wait3A_236 : memref<128x128xf32, #tpu.memory_space<hbm>>)
    %dma_start3A_237 = arith.constant 1408 : i32
    %dma_start3A_238 = tpu.memref_slice %arg5[%dma_start3A_237] : memref<4096xi32, #tpu.memory_space<vmem>> -> memref<128xi32, #tpu.memory_space<vmem>>
    %dma_start3A_239 = arith.constant 0 : i32
    %dma_start3A_240 = arith.constant 0 : i32
    %dma_start3A_241 = tpu.memref_slice %arg2[%dma_start3A_239, %dma_start3A_240] : memref<1000x128xf32, #tpu.memory_space<hbm>> -> memref<1000x128xf32, #tpu.memory_space<hbm>>
    tpu.enqueue_indirect_dma source(%dma_start3A_241 : memref<1000x128xf32, #tpu.memory_space<hbm>>) target(%arg7 : memref<128x128xf32, #tpu.memory_space<vmem>>) offsets(%dma_start3A_238 : memref<128xi32, #tpu.memory_space<vmem>>) semaphore(%arg9 : memref<!tpu.dma_semaphore, #tpu.memory_space<semaphore_mem>>)
    %dma_wait3A_242 = arith.constant 1408 : i32
    %dma_wait3A_243 = tpu.memref_slice %arg5[%dma_wait3A_242] : memref<4096xi32, #tpu.memory_space<vmem>> -> memref<128xi32, #tpu.memory_space<vmem>>
    %dma_wait3A_244 = arith.constant 0 : i32
    %dma_wait3A_245 = arith.constant 0 : i32
    %dma_wait3A_246 = tpu.memref_slice %arg2[%dma_wait3A_244, %dma_wait3A_245] : memref<1000x128xf32, #tpu.memory_space<hbm>> -> memref<1000x128xf32, #tpu.memory_space<hbm>>
    tpu.wait_indirect_dma semaphore(%arg9 : memref<!tpu.dma_semaphore, #tpu.memory_space<semaphore_mem>>) src(%dma_wait3A_246 : memref<1000x128xf32, #tpu.memory_space<hbm>>) dst(%arg7 : memref<128x128xf32, #tpu.memory_space<vmem>>)
    %add3A_247 = arith.constant 1408 : i32
    %add3A_248 = arith.addi %mul3A_2, %add3A_247 : i32
    %dma_start3A_249 = arith.constant 0 : i32
    %dma_start3A_250 = tpu.memref_slice %arg4[%add3A_248, %dma_start3A_249] : memref<131072x128xf32, #tpu.memory_space<hbm>> -> memref<128x128xf32, #tpu.memory_space<hbm>>
    %dma_start3A_251 = arith.constant 0 : i32
    %dma_start3A_252 = tpu.memref_slice %arg4[%add3A_248, %dma_start3A_251] : memref<131072x128xf32, #tpu.memory_space<hbm>> -> memref<128x128xf32, #tpu.memory_space<hbm>>
    tpu.enqueue_dma source(%arg7 : memref<128x128xf32, #tpu.memory_space<vmem>>) target(%dma_start3A_252 : memref<128x128xf32, #tpu.memory_space<hbm>>) target_semaphore(%arg11 : memref<!tpu.dma_semaphore, #tpu.memory_space<semaphore_mem>>)
    %add3A_253 = arith.constant 1280 : i32
    %add3A_254 = arith.addi %mul3A_2, %add3A_253 : i32
    %dma_wait3A_255 = arith.constant 0 : i32
    %dma_wait3A_256 = tpu.memref_slice %arg4[%add3A_254, %dma_wait3A_255] : memref<131072x128xf32, #tpu.memory_space<hbm>> -> memref<128x128xf32, #tpu.memory_space<hbm>>
    %dma_wait3A_257 = arith.constant 0 : i32
    %dma_wait3A_258 = tpu.memref_slice %arg4[%add3A_254, %dma_wait3A_257] : memref<131072x128xf32, #tpu.memory_space<hbm>> -> memref<128x128xf32, #tpu.memory_space<hbm>>
    tpu.wait_dma2 semaphore(%arg10 : memref<!tpu.dma_semaphore, #tpu.memory_space<semaphore_mem>>) src(%arg6 : memref<128x128xf32, #tpu.memory_space<vmem>>) dst(%dma_wait3A_258 : memref<128x128xf32, #tpu.memory_space<hbm>>)
    %dma_start3A_259 = arith.constant 1536 : i32
    %dma_start3A_260 = tpu.memref_slice %arg5[%dma_start3A_259] : memref<4096xi32, #tpu.memory_space<vmem>> -> memref<128xi32, #tpu.memory_space<vmem>>
    %dma_start3A_261 = arith.constant 0 : i32
    %dma_start3A_262 = arith.constant 0 : i32
    %dma_start3A_263 = tpu.memref_slice %arg2[%dma_start3A_261, %dma_start3A_262] : memref<1000x128xf32, #tpu.memory_space<hbm>> -> memref<1000x128xf32, #tpu.memory_space<hbm>>
    tpu.enqueue_indirect_dma source(%dma_start3A_263 : memref<1000x128xf32, #tpu.memory_space<hbm>>) target(%arg6 : memref<128x128xf32, #tpu.memory_space<vmem>>) offsets(%dma_start3A_260 : memref<128xi32, #tpu.memory_space<vmem>>) semaphore(%arg8 : memref<!tpu.dma_semaphore, #tpu.memory_space<semaphore_mem>>)
    %dma_wait3A_264 = arith.constant 1536 : i32
    %dma_wait3A_265 = tpu.memref_slice %arg5[%dma_wait3A_264] : memref<4096xi32, #tpu.memory_space<vmem>> -> memref<128xi32, #tpu.memory_space<vmem>>
    %dma_wait3A_266 = arith.constant 0 : i32
    %dma_wait3A_267 = arith.constant 0 : i32
    %dma_wait3A_268 = tpu.memref_slice %arg2[%dma_wait3A_266, %dma_wait3A_267] : memref<1000x128xf32, #tpu.memory_space<hbm>> -> memref<1000x128xf32, #tpu.memory_space<hbm>>
    tpu.wait_indirect_dma semaphore(%arg8 : memref<!tpu.dma_semaphore, #tpu.memory_space<semaphore_mem>>) src(%dma_wait3A_268 : memref<1000x128xf32, #tpu.memory_space<hbm>>) dst(%arg6 : memref<128x128xf32, #tpu.memory_space<vmem>>)
    %add3A_269 = arith.constant 1536 : i32
    %add3A_270 = arith.addi %mul3A_2, %add3A_269 : i32
    %dma_start3A_271 = arith.constant 0 : i32
    %dma_start3A_272 = tpu.memref_slice %arg4[%add3A_270, %dma_start3A_271] : memref<131072x128xf32, #tpu.memory_space<hbm>> -> memref<128x128xf32, #tpu.memory_space<hbm>>
    %dma_start3A_273 = arith.constant 0 : i32
    %dma_start3A_274 = tpu.memref_slice %arg4[%add3A_270, %dma_start3A_273] : memref<131072x128xf32, #tpu.memory_space<hbm>> -> memref<128x128xf32, #tpu.memory_space<hbm>>
    tpu.enqueue_dma source(%arg6 : memref<128x128xf32, #tpu.memory_space<vmem>>) target(%dma_start3A_274 : memref<128x128xf32, #tpu.memory_space<hbm>>) target_semaphore(%arg10 : memref<!tpu.dma_semaphore, #tpu.memory_space<semaphore_mem>>)
    %add3A_275 = arith.constant 1408 : i32
    %add3A_276 = arith.addi %mul3A_2, %add3A_275 : i32
    %dma_wait3A_277 = arith.constant 0 : i32
    %dma_wait3A_278 = tpu.memref_slice %arg4[%add3A_276, %dma_wait3A_277] : memref<131072x128xf32, #tpu.memory_space<hbm>> -> memref<128x128xf32, #tpu.memory_space<hbm>>
    %dma_wait3A_279 = arith.constant 0 : i32
    %dma_wait3A_280 = tpu.memref_slice %arg4[%add3A_276, %dma_wait3A_279] : memref<131072x128xf32, #tpu.memory_space<hbm>> -> memref<128x128xf32, #tpu.memory_space<hbm>>
    tpu.wait_dma2 semaphore(%arg11 : memref<!tpu.dma_semaphore, #tpu.memory_space<semaphore_mem>>) src(%arg7 : memref<128x128xf32, #tpu.memory_space<vmem>>) dst(%dma_wait3A_280 : memref<128x128xf32, #tpu.memory_space<hbm>>)
    %dma_start3A_281 = arith.constant 1664 : i32
    %dma_start3A_282 = tpu.memref_slice %arg5[%dma_start3A_281] : memref<4096xi32, #tpu.memory_space<vmem>> -> memref<128xi32, #tpu.memory_space<vmem>>
    %dma_start3A_283 = arith.constant 0 : i32
    %dma_start3A_284 = arith.constant 0 : i32
    %dma_start3A_285 = tpu.memref_slice %arg2[%dma_start3A_283, %dma_start3A_284] : memref<1000x128xf32, #tpu.memory_space<hbm>> -> memref<1000x128xf32, #tpu.memory_space<hbm>>
    tpu.enqueue_indirect_dma source(%dma_start3A_285 : memref<1000x128xf32, #tpu.memory_space<hbm>>) target(%arg7 : memref<128x128xf32, #tpu.memory_space<vmem>>) offsets(%dma_start3A_282 : memref<128xi32, #tpu.memory_space<vmem>>) semaphore(%arg9 : memref<!tpu.dma_semaphore, #tpu.memory_space<semaphore_mem>>)
    %dma_wait3A_286 = arith.constant 1664 : i32
    %dma_wait3A_287 = tpu.memref_slice %arg5[%dma_wait3A_286] : memref<4096xi32, #tpu.memory_space<vmem>> -> memref<128xi32, #tpu.memory_space<vmem>>
    %dma_wait3A_288 = arith.constant 0 : i32
    %dma_wait3A_289 = arith.constant 0 : i32
    %dma_wait3A_290 = tpu.memref_slice %arg2[%dma_wait3A_288, %dma_wait3A_289] : memref<1000x128xf32, #tpu.memory_space<hbm>> -> memref<1000x128xf32, #tpu.memory_space<hbm>>
    tpu.wait_indirect_dma semaphore(%arg9 : memref<!tpu.dma_semaphore, #tpu.memory_space<semaphore_mem>>) src(%dma_wait3A_290 : memref<1000x128xf32, #tpu.memory_space<hbm>>) dst(%arg7 : memref<128x128xf32, #tpu.memory_space<vmem>>)
    %add3A_291 = arith.constant 1664 : i32
    %add3A_292 = arith.addi %mul3A_2, %add3A_291 : i32
    %dma_start3A_293 = arith.constant 0 : i32
    %dma_start3A_294 = tpu.memref_slice %arg4[%add3A_292, %dma_start3A_293] : memref<131072x128xf32, #tpu.memory_space<hbm>> -> memref<128x128xf32, #tpu.memory_space<hbm>>
    %dma_start3A_295 = arith.constant 0 : i32
    %dma_start3A_296 = tpu.memref_slice %arg4[%add3A_292, %dma_start3A_295] : memref<131072x128xf32, #tpu.memory_space<hbm>> -> memref<128x128xf32, #tpu.memory_space<hbm>>
    tpu.enqueue_dma source(%arg7 : memref<128x128xf32, #tpu.memory_space<vmem>>) target(%dma_start3A_296 : memref<128x128xf32, #tpu.memory_space<hbm>>) target_semaphore(%arg11 : memref<!tpu.dma_semaphore, #tpu.memory_space<semaphore_mem>>)
    %add3A_297 = arith.constant 1536 : i32
    %add3A_298 = arith.addi %mul3A_2, %add3A_297 : i32
    %dma_wait3A_299 = arith.constant 0 : i32
    %dma_wait3A_300 = tpu.memref_slice %arg4[%add3A_298, %dma_wait3A_299] : memref<131072x128xf32, #tpu.memory_space<hbm>> -> memref<128x128xf32, #tpu.memory_space<hbm>>
    %dma_wait3A_301 = arith.constant 0 : i32
    %dma_wait3A_302 = tpu.memref_slice %arg4[%add3A_298, %dma_wait3A_301] : memref<131072x128xf32, #tpu.memory_space<hbm>> -> memref<128x128xf32, #tpu.memory_space<hbm>>
    tpu.wait_dma2 semaphore(%arg10 : memref<!tpu.dma_semaphore, #tpu.memory_space<semaphore_mem>>) src(%arg6 : memref<128x128xf32, #tpu.memory_space<vmem>>) dst(%dma_wait3A_302 : memref<128x128xf32, #tpu.memory_space<hbm>>)
    %dma_start3A_303 = arith.constant 1792 : i32
    %dma_start3A_304 = tpu.memref_slice %arg5[%dma_start3A_303] : memref<4096xi32, #tpu.memory_space<vmem>> -> memref<128xi32, #tpu.memory_space<vmem>>
    %dma_start3A_305 = arith.constant 0 : i32
    %dma_start3A_306 = arith.constant 0 : i32
    %dma_start3A_307 = tpu.memref_slice %arg2[%dma_start3A_305, %dma_start3A_306] : memref<1000x128xf32, #tpu.memory_space<hbm>> -> memref<1000x128xf32, #tpu.memory_space<hbm>>
    tpu.enqueue_indirect_dma source(%dma_start3A_307 : memref<1000x128xf32, #tpu.memory_space<hbm>>) target(%arg6 : memref<128x128xf32, #tpu.memory_space<vmem>>) offsets(%dma_start3A_304 : memref<128xi32, #tpu.memory_space<vmem>>) semaphore(%arg8 : memref<!tpu.dma_semaphore, #tpu.memory_space<semaphore_mem>>)
    %dma_wait3A_308 = arith.constant 1792 : i32
    %dma_wait3A_309 = tpu.memref_slice %arg5[%dma_wait3A_308] : memref<4096xi32, #tpu.memory_space<vmem>> -> memref<128xi32, #tpu.memory_space<vmem>>
    %dma_wait3A_310 = arith.constant 0 : i32
    %dma_wait3A_311 = arith.constant 0 : i32
    %dma_wait3A_312 = tpu.memref_slice %arg2[%dma_wait3A_310, %dma_wait3A_311] : memref<1000x128xf32, #tpu.memory_space<hbm>> -> memref<1000x128xf32, #tpu.memory_space<hbm>>
    tpu.wait_indirect_dma semaphore(%arg8 : memref<!tpu.dma_semaphore, #tpu.memory_space<semaphore_mem>>) src(%dma_wait3A_312 : memref<1000x128xf32, #tpu.memory_space<hbm>>) dst(%arg6 : memref<128x128xf32, #tpu.memory_space<vmem>>)
    %add3A_313 = arith.constant 1792 : i32
    %add3A_314 = arith.addi %mul3A_2, %add3A_313 : i32
    %dma_start3A_315 = arith.constant 0 : i32
    %dma_start3A_316 = tpu.memref_slice %arg4[%add3A_314, %dma_start3A_315] : memref<131072x128xf32, #tpu.memory_space<hbm>> -> memref<128x128xf32, #tpu.memory_space<hbm>>
    %dma_start3A_317 = arith.constant 0 : i32
    %dma_start3A_318 = tpu.memref_slice %arg4[%add3A_314, %dma_start3A_317] : memref<131072x128xf32, #tpu.memory_space<hbm>> -> memref<128x128xf32, #tpu.memory_space<hbm>>
    tpu.enqueue_dma source(%arg6 : memref<128x128xf32, #tpu.memory_space<vmem>>) target(%dma_start3A_318 : memref<128x128xf32, #tpu.memory_space<hbm>>) target_semaphore(%arg10 : memref<!tpu.dma_semaphore, #tpu.memory_space<semaphore_mem>>)
    %add3A_319 = arith.constant 1664 : i32
    %add3A_320 = arith.addi %mul3A_2, %add3A_319 : i32
    %dma_wait3A_321 = arith.constant 0 : i32
    %dma_wait3A_322 = tpu.memref_slice %arg4[%add3A_320, %dma_wait3A_321] : memref<131072x128xf32, #tpu.memory_space<hbm>> -> memref<128x128xf32, #tpu.memory_space<hbm>>
    %dma_wait3A_323 = arith.constant 0 : i32
    %dma_wait3A_324 = tpu.memref_slice %arg4[%add3A_320, %dma_wait3A_323] : memref<131072x128xf32, #tpu.memory_space<hbm>> -> memref<128x128xf32, #tpu.memory_space<hbm>>
    tpu.wait_dma2 semaphore(%arg11 : memref<!tpu.dma_semaphore, #tpu.memory_space<semaphore_mem>>) src(%arg7 : memref<128x128xf32, #tpu.memory_space<vmem>>) dst(%dma_wait3A_324 : memref<128x128xf32, #tpu.memory_space<hbm>>)
    %dma_start3A_325 = arith.constant 1920 : i32
    %dma_start3A_326 = tpu.memref_slice %arg5[%dma_start3A_325] : memref<4096xi32, #tpu.memory_space<vmem>> -> memref<128xi32, #tpu.memory_space<vmem>>
    %dma_start3A_327 = arith.constant 0 : i32
    %dma_start3A_328 = arith.constant 0 : i32
    %dma_start3A_329 = tpu.memref_slice %arg2[%dma_start3A_327, %dma_start3A_328] : memref<1000x128xf32, #tpu.memory_space<hbm>> -> memref<1000x128xf32, #tpu.memory_space<hbm>>
    tpu.enqueue_indirect_dma source(%dma_start3A_329 : memref<1000x128xf32, #tpu.memory_space<hbm>>) target(%arg7 : memref<128x128xf32, #tpu.memory_space<vmem>>) offsets(%dma_start3A_326 : memref<128xi32, #tpu.memory_space<vmem>>) semaphore(%arg9 : memref<!tpu.dma_semaphore, #tpu.memory_space<semaphore_mem>>)
    %dma_wait3A_330 = arith.constant 1920 : i32
    %dma_wait3A_331 = tpu.memref_slice %arg5[%dma_wait3A_330] : memref<4096xi32, #tpu.memory_space<vmem>> -> memref<128xi32, #tpu.memory_space<vmem>>
    %dma_wait3A_332 = arith.constant 0 : i32
    %dma_wait3A_333 = arith.constant 0 : i32
    %dma_wait3A_334 = tpu.memref_slice %arg2[%dma_wait3A_332, %dma_wait3A_333] : memref<1000x128xf32, #tpu.memory_space<hbm>> -> memref<1000x128xf32, #tpu.memory_space<hbm>>
    tpu.wait_indirect_dma semaphore(%arg9 : memref<!tpu.dma_semaphore, #tpu.memory_space<semaphore_mem>>) src(%dma_wait3A_334 : memref<1000x128xf32, #tpu.memory_space<hbm>>) dst(%arg7 : memref<128x128xf32, #tpu.memory_space<vmem>>)
    %add3A_335 = arith.constant 1920 : i32
    %add3A_336 = arith.addi %mul3A_2, %add3A_335 : i32
    %dma_start3A_337 = arith.constant 0 : i32
    %dma_start3A_338 = tpu.memref_slice %arg4[%add3A_336, %dma_start3A_337] : memref<131072x128xf32, #tpu.memory_space<hbm>> -> memref<128x128xf32, #tpu.memory_space<hbm>>
    %dma_start3A_339 = arith.constant 0 : i32
    %dma_start3A_340 = tpu.memref_slice %arg4[%add3A_336, %dma_start3A_339] : memref<131072x128xf32, #tpu.memory_space<hbm>> -> memref<128x128xf32, #tpu.memory_space<hbm>>
    tpu.enqueue_dma source(%arg7 : memref<128x128xf32, #tpu.memory_space<vmem>>) target(%dma_start3A_340 : memref<128x128xf32, #tpu.memory_space<hbm>>) target_semaphore(%arg11 : memref<!tpu.dma_semaphore, #tpu.memory_space<semaphore_mem>>)
    %add3A_341 = arith.constant 1792 : i32
    %add3A_342 = arith.addi %mul3A_2, %add3A_341 : i32
    %dma_wait3A_343 = arith.constant 0 : i32
    %dma_wait3A_344 = tpu.memref_slice %arg4[%add3A_342, %dma_wait3A_343] : memref<131072x128xf32, #tpu.memory_space<hbm>> -> memref<128x128xf32, #tpu.memory_space<hbm>>
    %dma_wait3A_345 = arith.constant 0 : i32
    %dma_wait3A_346 = tpu.memref_slice %arg4[%add3A_342, %dma_wait3A_345] : memref<131072x128xf32, #tpu.memory_space<hbm>> -> memref<128x128xf32, #tpu.memory_space<hbm>>
    tpu.wait_dma2 semaphore(%arg10 : memref<!tpu.dma_semaphore, #tpu.memory_space<semaphore_mem>>) src(%arg6 : memref<128x128xf32, #tpu.memory_space<vmem>>) dst(%dma_wait3A_346 : memref<128x128xf32, #tpu.memory_space<hbm>>)
    %dma_start3A_347 = arith.constant 2048 : i32
    %dma_start3A_348 = tpu.memref_slice %arg5[%dma_start3A_347] : memref<4096xi32, #tpu.memory_space<vmem>> -> memref<128xi32, #tpu.memory_space<vmem>>
    %dma_start3A_349 = arith.constant 0 : i32
    %dma_start3A_350 = arith.constant 0 : i32
    %dma_start3A_351 = tpu.memref_slice %arg2[%dma_start3A_349, %dma_start3A_350] : memref<1000x128xf32, #tpu.memory_space<hbm>> -> memref<1000x128xf32, #tpu.memory_space<hbm>>
    tpu.enqueue_indirect_dma source(%dma_start3A_351 : memref<1000x128xf32, #tpu.memory_space<hbm>>) target(%arg6 : memref<128x128xf32, #tpu.memory_space<vmem>>) offsets(%dma_start3A_348 : memref<128xi32, #tpu.memory_space<vmem>>) semaphore(%arg8 : memref<!tpu.dma_semaphore, #tpu.memory_space<semaphore_mem>>)
    %dma_wait3A_352 = arith.constant 2048 : i32
    %dma_wait3A_353 = tpu.memref_slice %arg5[%dma_wait3A_352] : memref<4096xi32, #tpu.memory_space<vmem>> -> memref<128xi32, #tpu.memory_space<vmem>>
    %dma_wait3A_354 = arith.constant 0 : i32
    %dma_wait3A_355 = arith.constant 0 : i32
    %dma_wait3A_356 = tpu.memref_slice %arg2[%dma_wait3A_354, %dma_wait3A_355] : memref<1000x128xf32, #tpu.memory_space<hbm>> -> memref<1000x128xf32, #tpu.memory_space<hbm>>
    tpu.wait_indirect_dma semaphore(%arg8 : memref<!tpu.dma_semaphore, #tpu.memory_space<semaphore_mem>>) src(%dma_wait3A_356 : memref<1000x128xf32, #tpu.memory_space<hbm>>) dst(%arg6 : memref<128x128xf32, #tpu.memory_space<vmem>>)
    %add3A_357 = arith.constant 2048 : i32
    %add3A_358 = arith.addi %mul3A_2, %add3A_357 : i32
    %dma_start3A_359 = arith.constant 0 : i32
    %dma_start3A_360 = tpu.memref_slice %arg4[%add3A_358, %dma_start3A_359] : memref<131072x128xf32, #tpu.memory_space<hbm>> -> memref<128x128xf32, #tpu.memory_space<hbm>>
    %dma_start3A_361 = arith.constant 0 : i32
    %dma_start3A_362 = tpu.memref_slice %arg4[%add3A_358, %dma_start3A_361] : memref<131072x128xf32, #tpu.memory_space<hbm>> -> memref<128x128xf32, #tpu.memory_space<hbm>>
    tpu.enqueue_dma source(%arg6 : memref<128x128xf32, #tpu.memory_space<vmem>>) target(%dma_start3A_362 : memref<128x128xf32, #tpu.memory_space<hbm>>) target_semaphore(%arg10 : memref<!tpu.dma_semaphore, #tpu.memory_space<semaphore_mem>>)
    %add3A_363 = arith.constant 1920 : i32
    %add3A_364 = arith.addi %mul3A_2, %add3A_363 : i32
    %dma_wait3A_365 = arith.constant 0 : i32
    %dma_wait3A_366 = tpu.memref_slice %arg4[%add3A_364, %dma_wait3A_365] : memref<131072x128xf32, #tpu.memory_space<hbm>> -> memref<128x128xf32, #tpu.memory_space<hbm>>
    %dma_wait3A_367 = arith.constant 0 : i32
    %dma_wait3A_368 = tpu.memref_slice %arg4[%add3A_364, %dma_wait3A_367] : memref<131072x128xf32, #tpu.memory_space<hbm>> -> memref<128x128xf32, #tpu.memory_space<hbm>>
    tpu.wait_dma2 semaphore(%arg11 : memref<!tpu.dma_semaphore, #tpu.memory_space<semaphore_mem>>) src(%arg7 : memref<128x128xf32, #tpu.memory_space<vmem>>) dst(%dma_wait3A_368 : memref<128x128xf32, #tpu.memory_space<hbm>>)
    %dma_start3A_369 = arith.constant 2176 : i32
    %dma_start3A_370 = tpu.memref_slice %arg5[%dma_start3A_369] : memref<4096xi32, #tpu.memory_space<vmem>> -> memref<128xi32, #tpu.memory_space<vmem>>
    %dma_start3A_371 = arith.constant 0 : i32
    %dma_start3A_372 = arith.constant 0 : i32
    %dma_start3A_373 = tpu.memref_slice %arg2[%dma_start3A_371, %dma_start3A_372] : memref<1000x128xf32, #tpu.memory_space<hbm>> -> memref<1000x128xf32, #tpu.memory_space<hbm>>
    tpu.enqueue_indirect_dma source(%dma_start3A_373 : memref<1000x128xf32, #tpu.memory_space<hbm>>) target(%arg7 : memref<128x128xf32, #tpu.memory_space<vmem>>) offsets(%dma_start3A_370 : memref<128xi32, #tpu.memory_space<vmem>>) semaphore(%arg9 : memref<!tpu.dma_semaphore, #tpu.memory_space<semaphore_mem>>)
    %dma_wait3A_374 = arith.constant 2176 : i32
    %dma_wait3A_375 = tpu.memref_slice %arg5[%dma_wait3A_374] : memref<4096xi32, #tpu.memory_space<vmem>> -> memref<128xi32, #tpu.memory_space<vmem>>
    %dma_wait3A_376 = arith.constant 0 : i32
    %dma_wait3A_377 = arith.constant 0 : i32
    %dma_wait3A_378 = tpu.memref_slice %arg2[%dma_wait3A_376, %dma_wait3A_377] : memref<1000x128xf32, #tpu.memory_space<hbm>> -> memref<1000x128xf32, #tpu.memory_space<hbm>>
    tpu.wait_indirect_dma semaphore(%arg9 : memref<!tpu.dma_semaphore, #tpu.memory_space<semaphore_mem>>) src(%dma_wait3A_378 : memref<1000x128xf32, #tpu.memory_space<hbm>>) dst(%arg7 : memref<128x128xf32, #tpu.memory_space<vmem>>)
    %add3A_379 = arith.constant 2176 : i32
    %add3A_380 = arith.addi %mul3A_2, %add3A_379 : i32
    %dma_start3A_381 = arith.constant 0 : i32
    %dma_start3A_382 = tpu.memref_slice %arg4[%add3A_380, %dma_start3A_381] : memref<131072x128xf32, #tpu.memory_space<hbm>> -> memref<128x128xf32, #tpu.memory_space<hbm>>
    %dma_start3A_383 = arith.constant 0 : i32
    %dma_start3A_384 = tpu.memref_slice %arg4[%add3A_380, %dma_start3A_383] : memref<131072x128xf32, #tpu.memory_space<hbm>> -> memref<128x128xf32, #tpu.memory_space<hbm>>
    tpu.enqueue_dma source(%arg7 : memref<128x128xf32, #tpu.memory_space<vmem>>) target(%dma_start3A_384 : memref<128x128xf32, #tpu.memory_space<hbm>>) target_semaphore(%arg11 : memref<!tpu.dma_semaphore, #tpu.memory_space<semaphore_mem>>)
    %add3A_385 = arith.constant 2048 : i32
    %add3A_386 = arith.addi %mul3A_2, %add3A_385 : i32
    %dma_wait3A_387 = arith.constant 0 : i32
    %dma_wait3A_388 = tpu.memref_slice %arg4[%add3A_386, %dma_wait3A_387] : memref<131072x128xf32, #tpu.memory_space<hbm>> -> memref<128x128xf32, #tpu.memory_space<hbm>>
    %dma_wait3A_389 = arith.constant 0 : i32
    %dma_wait3A_390 = tpu.memref_slice %arg4[%add3A_386, %dma_wait3A_389] : memref<131072x128xf32, #tpu.memory_space<hbm>> -> memref<128x128xf32, #tpu.memory_space<hbm>>
    tpu.wait_dma2 semaphore(%arg10 : memref<!tpu.dma_semaphore, #tpu.memory_space<semaphore_mem>>) src(%arg6 : memref<128x128xf32, #tpu.memory_space<vmem>>) dst(%dma_wait3A_390 : memref<128x128xf32, #tpu.memory_space<hbm>>)
    %dma_start3A_391 = arith.constant 2304 : i32
    %dma_start3A_392 = tpu.memref_slice %arg5[%dma_start3A_391] : memref<4096xi32, #tpu.memory_space<vmem>> -> memref<128xi32, #tpu.memory_space<vmem>>
    %dma_start3A_393 = arith.constant 0 : i32
    %dma_start3A_394 = arith.constant 0 : i32
    %dma_start3A_395 = tpu.memref_slice %arg2[%dma_start3A_393, %dma_start3A_394] : memref<1000x128xf32, #tpu.memory_space<hbm>> -> memref<1000x128xf32, #tpu.memory_space<hbm>>
    tpu.enqueue_indirect_dma source(%dma_start3A_395 : memref<1000x128xf32, #tpu.memory_space<hbm>>) target(%arg6 : memref<128x128xf32, #tpu.memory_space<vmem>>) offsets(%dma_start3A_392 : memref<128xi32, #tpu.memory_space<vmem>>) semaphore(%arg8 : memref<!tpu.dma_semaphore, #tpu.memory_space<semaphore_mem>>)
    %dma_wait3A_396 = arith.constant 2304 : i32
    %dma_wait3A_397 = tpu.memref_slice %arg5[%dma_wait3A_396] : memref<4096xi32, #tpu.memory_space<vmem>> -> memref<128xi32, #tpu.memory_space<vmem>>
    %dma_wait3A_398 = arith.constant 0 : i32
    %dma_wait3A_399 = arith.constant 0 : i32
    %dma_wait3A_400 = tpu.memref_slice %arg2[%dma_wait3A_398, %dma_wait3A_399] : memref<1000x128xf32, #tpu.memory_space<hbm>> -> memref<1000x128xf32, #tpu.memory_space<hbm>>
    tpu.wait_indirect_dma semaphore(%arg8 : memref<!tpu.dma_semaphore, #tpu.memory_space<semaphore_mem>>) src(%dma_wait3A_400 : memref<1000x128xf32, #tpu.memory_space<hbm>>) dst(%arg6 : memref<128x128xf32, #tpu.memory_space<vmem>>)
    %add3A_401 = arith.constant 2304 : i32
    %add3A_402 = arith.addi %mul3A_2, %add3A_401 : i32
    %dma_start3A_403 = arith.constant 0 : i32
    %dma_start3A_404 = tpu.memref_slice %arg4[%add3A_402, %dma_start3A_403] : memref<131072x128xf32, #tpu.memory_space<hbm>> -> memref<128x128xf32, #tpu.memory_space<hbm>>
    %dma_start3A_405 = arith.constant 0 : i32
    %dma_start3A_406 = tpu.memref_slice %arg4[%add3A_402, %dma_start3A_405] : memref<131072x128xf32, #tpu.memory_space<hbm>> -> memref<128x128xf32, #tpu.memory_space<hbm>>
    tpu.enqueue_dma source(%arg6 : memref<128x128xf32, #tpu.memory_space<vmem>>) target(%dma_start3A_406 : memref<128x128xf32, #tpu.memory_space<hbm>>) target_semaphore(%arg10 : memref<!tpu.dma_semaphore, #tpu.memory_space<semaphore_mem>>)
    %add3A_407 = arith.constant 2176 : i32
    %add3A_408 = arith.addi %mul3A_2, %add3A_407 : i32
    %dma_wait3A_409 = arith.constant 0 : i32
    %dma_wait3A_410 = tpu.memref_slice %arg4[%add3A_408, %dma_wait3A_409] : memref<131072x128xf32, #tpu.memory_space<hbm>> -> memref<128x128xf32, #tpu.memory_space<hbm>>
    %dma_wait3A_411 = arith.constant 0 : i32
    %dma_wait3A_412 = tpu.memref_slice %arg4[%add3A_408, %dma_wait3A_411] : memref<131072x128xf32, #tpu.memory_space<hbm>> -> memref<128x128xf32, #tpu.memory_space<hbm>>
    tpu.wait_dma2 semaphore(%arg11 : memref<!tpu.dma_semaphore, #tpu.memory_space<semaphore_mem>>) src(%arg7 : memref<128x128xf32, #tpu.memory_space<vmem>>) dst(%dma_wait3A_412 : memref<128x128xf32, #tpu.memory_space<hbm>>)
    %dma_start3A_413 = arith.constant 2432 : i32
    %dma_start3A_414 = tpu.memref_slice %arg5[%dma_start3A_413] : memref<4096xi32, #tpu.memory_space<vmem>> -> memref<128xi32, #tpu.memory_space<vmem>>
    %dma_start3A_415 = arith.constant 0 : i32
    %dma_start3A_416 = arith.constant 0 : i32
    %dma_start3A_417 = tpu.memref_slice %arg2[%dma_start3A_415, %dma_start3A_416] : memref<1000x128xf32, #tpu.memory_space<hbm>> -> memref<1000x128xf32, #tpu.memory_space<hbm>>
    tpu.enqueue_indirect_dma source(%dma_start3A_417 : memref<1000x128xf32, #tpu.memory_space<hbm>>) target(%arg7 : memref<128x128xf32, #tpu.memory_space<vmem>>) offsets(%dma_start3A_414 : memref<128xi32, #tpu.memory_space<vmem>>) semaphore(%arg9 : memref<!tpu.dma_semaphore, #tpu.memory_space<semaphore_mem>>)
    %dma_wait3A_418 = arith.constant 2432 : i32
    %dma_wait3A_419 = tpu.memref_slice %arg5[%dma_wait3A_418] : memref<4096xi32, #tpu.memory_space<vmem>> -> memref<128xi32, #tpu.memory_space<vmem>>
    %dma_wait3A_420 = arith.constant 0 : i32
    %dma_wait3A_421 = arith.constant 0 : i32
    %dma_wait3A_422 = tpu.memref_slice %arg2[%dma_wait3A_420, %dma_wait3A_421] : memref<1000x128xf32, #tpu.memory_space<hbm>> -> memref<1000x128xf32, #tpu.memory_space<hbm>>
    tpu.wait_indirect_dma semaphore(%arg9 : memref<!tpu.dma_semaphore, #tpu.memory_space<semaphore_mem>>) src(%dma_wait3A_422 : memref<1000x128xf32, #tpu.memory_space<hbm>>) dst(%arg7 : memref<128x128xf32, #tpu.memory_space<vmem>>)
    %add3A_423 = arith.constant 2432 : i32
    %add3A_424 = arith.addi %mul3A_2, %add3A_423 : i32
    %dma_start3A_425 = arith.constant 0 : i32
    %dma_start3A_426 = tpu.memref_slice %arg4[%add3A_424, %dma_start3A_425] : memref<131072x128xf32, #tpu.memory_space<hbm>> -> memref<128x128xf32, #tpu.memory_space<hbm>>
    %dma_start3A_427 = arith.constant 0 : i32
    %dma_start3A_428 = tpu.memref_slice %arg4[%add3A_424, %dma_start3A_427] : memref<131072x128xf32, #tpu.memory_space<hbm>> -> memref<128x128xf32, #tpu.memory_space<hbm>>
    tpu.enqueue_dma source(%arg7 : memref<128x128xf32, #tpu.memory_space<vmem>>) target(%dma_start3A_428 : memref<128x128xf32, #tpu.memory_space<hbm>>) target_semaphore(%arg11 : memref<!tpu.dma_semaphore, #tpu.memory_space<semaphore_mem>>)
    %add3A_429 = arith.constant 2304 : i32
    %add3A_430 = arith.addi %mul3A_2, %add3A_429 : i32
    %dma_wait3A_431 = arith.constant 0 : i32
    %dma_wait3A_432 = tpu.memref_slice %arg4[%add3A_430, %dma_wait3A_431] : memref<131072x128xf32, #tpu.memory_space<hbm>> -> memref<128x128xf32, #tpu.memory_space<hbm>>
    %dma_wait3A_433 = arith.constant 0 : i32
    %dma_wait3A_434 = tpu.memref_slice %arg4[%add3A_430, %dma_wait3A_433] : memref<131072x128xf32, #tpu.memory_space<hbm>> -> memref<128x128xf32, #tpu.memory_space<hbm>>
    tpu.wait_dma2 semaphore(%arg10 : memref<!tpu.dma_semaphore, #tpu.memory_space<semaphore_mem>>) src(%arg6 : memref<128x128xf32, #tpu.memory_space<vmem>>) dst(%dma_wait3A_434 : memref<128x128xf32, #tpu.memory_space<hbm>>)
    %dma_start3A_435 = arith.constant 2560 : i32
    %dma_start3A_436 = tpu.memref_slice %arg5[%dma_start3A_435] : memref<4096xi32, #tpu.memory_space<vmem>> -> memref<128xi32, #tpu.memory_space<vmem>>
    %dma_start3A_437 = arith.constant 0 : i32
    %dma_start3A_438 = arith.constant 0 : i32
    %dma_start3A_439 = tpu.memref_slice %arg2[%dma_start3A_437, %dma_start3A_438] : memref<1000x128xf32, #tpu.memory_space<hbm>> -> memref<1000x128xf32, #tpu.memory_space<hbm>>
    tpu.enqueue_indirect_dma source(%dma_start3A_439 : memref<1000x128xf32, #tpu.memory_space<hbm>>) target(%arg6 : memref<128x128xf32, #tpu.memory_space<vmem>>) offsets(%dma_start3A_436 : memref<128xi32, #tpu.memory_space<vmem>>) semaphore(%arg8 : memref<!tpu.dma_semaphore, #tpu.memory_space<semaphore_mem>>)
    %dma_wait3A_440 = arith.constant 2560 : i32
    %dma_wait3A_441 = tpu.memref_slice %arg5[%dma_wait3A_440] : memref<4096xi32, #tpu.memory_space<vmem>> -> memref<128xi32, #tpu.memory_space<vmem>>
    %dma_wait3A_442 = arith.constant 0 : i32
    %dma_wait3A_443 = arith.constant 0 : i32
    %dma_wait3A_444 = tpu.memref_slice %arg2[%dma_wait3A_442, %dma_wait3A_443] : memref<1000x128xf32, #tpu.memory_space<hbm>> -> memref<1000x128xf32, #tpu.memory_space<hbm>>
    tpu.wait_indirect_dma semaphore(%arg8 : memref<!tpu.dma_semaphore, #tpu.memory_space<semaphore_mem>>) src(%dma_wait3A_444 : memref<1000x128xf32, #tpu.memory_space<hbm>>) dst(%arg6 : memref<128x128xf32, #tpu.memory_space<vmem>>)
    %add3A_445 = arith.constant 2560 : i32
    %add3A_446 = arith.addi %mul3A_2, %add3A_445 : i32
    %dma_start3A_447 = arith.constant 0 : i32
    %dma_start3A_448 = tpu.memref_slice %arg4[%add3A_446, %dma_start3A_447] : memref<131072x128xf32, #tpu.memory_space<hbm>> -> memref<128x128xf32, #tpu.memory_space<hbm>>
    %dma_start3A_449 = arith.constant 0 : i32
    %dma_start3A_450 = tpu.memref_slice %arg4[%add3A_446, %dma_start3A_449] : memref<131072x128xf32, #tpu.memory_space<hbm>> -> memref<128x128xf32, #tpu.memory_space<hbm>>
    tpu.enqueue_dma source(%arg6 : memref<128x128xf32, #tpu.memory_space<vmem>>) target(%dma_start3A_450 : memref<128x128xf32, #tpu.memory_space<hbm>>) target_semaphore(%arg10 : memref<!tpu.dma_semaphore, #tpu.memory_space<semaphore_mem>>)
    %add3A_451 = arith.constant 2432 : i32
    %add3A_452 = arith.addi %mul3A_2, %add3A_451 : i32
    %dma_wait3A_453 = arith.constant 0 : i32
    %dma_wait3A_454 = tpu.memref_slice %arg4[%add3A_452, %dma_wait3A_453] : memref<131072x128xf32, #tpu.memory_space<hbm>> -> memref<128x128xf32, #tpu.memory_space<hbm>>
    %dma_wait3A_455 = arith.constant 0 : i32
    %dma_wait3A_456 = tpu.memref_slice %arg4[%add3A_452, %dma_wait3A_455] : memref<131072x128xf32, #tpu.memory_space<hbm>> -> memref<128x128xf32, #tpu.memory_space<hbm>>
    tpu.wait_dma2 semaphore(%arg11 : memref<!tpu.dma_semaphore, #tpu.memory_space<semaphore_mem>>) src(%arg7 : memref<128x128xf32, #tpu.memory_space<vmem>>) dst(%dma_wait3A_456 : memref<128x128xf32, #tpu.memory_space<hbm>>)
    %dma_start3A_457 = arith.constant 2688 : i32
    %dma_start3A_458 = tpu.memref_slice %arg5[%dma_start3A_457] : memref<4096xi32, #tpu.memory_space<vmem>> -> memref<128xi32, #tpu.memory_space<vmem>>
    %dma_start3A_459 = arith.constant 0 : i32
    %dma_start3A_460 = arith.constant 0 : i32
    %dma_start3A_461 = tpu.memref_slice %arg2[%dma_start3A_459, %dma_start3A_460] : memref<1000x128xf32, #tpu.memory_space<hbm>> -> memref<1000x128xf32, #tpu.memory_space<hbm>>
    tpu.enqueue_indirect_dma source(%dma_start3A_461 : memref<1000x128xf32, #tpu.memory_space<hbm>>) target(%arg7 : memref<128x128xf32, #tpu.memory_space<vmem>>) offsets(%dma_start3A_458 : memref<128xi32, #tpu.memory_space<vmem>>) semaphore(%arg9 : memref<!tpu.dma_semaphore, #tpu.memory_space<semaphore_mem>>)
    %dma_wait3A_462 = arith.constant 2688 : i32
    %dma_wait3A_463 = tpu.memref_slice %arg5[%dma_wait3A_462] : memref<4096xi32, #tpu.memory_space<vmem>> -> memref<128xi32, #tpu.memory_space<vmem>>
    %dma_wait3A_464 = arith.constant 0 : i32
    %dma_wait3A_465 = arith.constant 0 : i32
    %dma_wait3A_466 = tpu.memref_slice %arg2[%dma_wait3A_464, %dma_wait3A_465] : memref<1000x128xf32, #tpu.memory_space<hbm>> -> memref<1000x128xf32, #tpu.memory_space<hbm>>
    tpu.wait_indirect_dma semaphore(%arg9 : memref<!tpu.dma_semaphore, #tpu.memory_space<semaphore_mem>>) src(%dma_wait3A_466 : memref<1000x128xf32, #tpu.memory_space<hbm>>) dst(%arg7 : memref<128x128xf32, #tpu.memory_space<vmem>>)
    %add3A_467 = arith.constant 2688 : i32
    %add3A_468 = arith.addi %mul3A_2, %add3A_467 : i32
    %dma_start3A_469 = arith.constant 0 : i32
    %dma_start3A_470 = tpu.memref_slice %arg4[%add3A_468, %dma_start3A_469] : memref<131072x128xf32, #tpu.memory_space<hbm>> -> memref<128x128xf32, #tpu.memory_space<hbm>>
    %dma_start3A_471 = arith.constant 0 : i32
    %dma_start3A_472 = tpu.memref_slice %arg4[%add3A_468, %dma_start3A_471] : memref<131072x128xf32, #tpu.memory_space<hbm>> -> memref<128x128xf32, #tpu.memory_space<hbm>>
    tpu.enqueue_dma source(%arg7 : memref<128x128xf32, #tpu.memory_space<vmem>>) target(%dma_start3A_472 : memref<128x128xf32, #tpu.memory_space<hbm>>) target_semaphore(%arg11 : memref<!tpu.dma_semaphore, #tpu.memory_space<semaphore_mem>>)
    %add3A_473 = arith.constant 2560 : i32
    %add3A_474 = arith.addi %mul3A_2, %add3A_473 : i32
    %dma_wait3A_475 = arith.constant 0 : i32
    %dma_wait3A_476 = tpu.memref_slice %arg4[%add3A_474, %dma_wait3A_475] : memref<131072x128xf32, #tpu.memory_space<hbm>> -> memref<128x128xf32, #tpu.memory_space<hbm>>
    %dma_wait3A_477 = arith.constant 0 : i32
    %dma_wait3A_478 = tpu.memref_slice %arg4[%add3A_474, %dma_wait3A_477] : memref<131072x128xf32, #tpu.memory_space<hbm>> -> memref<128x128xf32, #tpu.memory_space<hbm>>
    tpu.wait_dma2 semaphore(%arg10 : memref<!tpu.dma_semaphore, #tpu.memory_space<semaphore_mem>>) src(%arg6 : memref<128x128xf32, #tpu.memory_space<vmem>>) dst(%dma_wait3A_478 : memref<128x128xf32, #tpu.memory_space<hbm>>)
    %dma_start3A_479 = arith.constant 2816 : i32
    %dma_start3A_480 = tpu.memref_slice %arg5[%dma_start3A_479] : memref<4096xi32, #tpu.memory_space<vmem>> -> memref<128xi32, #tpu.memory_space<vmem>>
    %dma_start3A_481 = arith.constant 0 : i32
    %dma_start3A_482 = arith.constant 0 : i32
    %dma_start3A_483 = tpu.memref_slice %arg2[%dma_start3A_481, %dma_start3A_482] : memref<1000x128xf32, #tpu.memory_space<hbm>> -> memref<1000x128xf32, #tpu.memory_space<hbm>>
    tpu.enqueue_indirect_dma source(%dma_start3A_483 : memref<1000x128xf32, #tpu.memory_space<hbm>>) target(%arg6 : memref<128x128xf32, #tpu.memory_space<vmem>>) offsets(%dma_start3A_480 : memref<128xi32, #tpu.memory_space<vmem>>) semaphore(%arg8 : memref<!tpu.dma_semaphore, #tpu.memory_space<semaphore_mem>>)
    %dma_wait3A_484 = arith.constant 2816 : i32
    %dma_wait3A_485 = tpu.memref_slice %arg5[%dma_wait3A_484] : memref<4096xi32, #tpu.memory_space<vmem>> -> memref<128xi32, #tpu.memory_space<vmem>>
    %dma_wait3A_486 = arith.constant 0 : i32
    %dma_wait3A_487 = arith.constant 0 : i32
    %dma_wait3A_488 = tpu.memref_slice %arg2[%dma_wait3A_486, %dma_wait3A_487] : memref<1000x128xf32, #tpu.memory_space<hbm>> -> memref<1000x128xf32, #tpu.memory_space<hbm>>
    tpu.wait_indirect_dma semaphore(%arg8 : memref<!tpu.dma_semaphore, #tpu.memory_space<semaphore_mem>>) src(%dma_wait3A_488 : memref<1000x128xf32, #tpu.memory_space<hbm>>) dst(%arg6 : memref<128x128xf32, #tpu.memory_space<vmem>>)
    %add3A_489 = arith.constant 2816 : i32
    %add3A_490 = arith.addi %mul3A_2, %add3A_489 : i32
    %dma_start3A_491 = arith.constant 0 : i32
    %dma_start3A_492 = tpu.memref_slice %arg4[%add3A_490, %dma_start3A_491] : memref<131072x128xf32, #tpu.memory_space<hbm>> -> memref<128x128xf32, #tpu.memory_space<hbm>>
    %dma_start3A_493 = arith.constant 0 : i32
    %dma_start3A_494 = tpu.memref_slice %arg4[%add3A_490, %dma_start3A_493] : memref<131072x128xf32, #tpu.memory_space<hbm>> -> memref<128x128xf32, #tpu.memory_space<hbm>>
    tpu.enqueue_dma source(%arg6 : memref<128x128xf32, #tpu.memory_space<vmem>>) target(%dma_start3A_494 : memref<128x128xf32, #tpu.memory_space<hbm>>) target_semaphore(%arg10 : memref<!tpu.dma_semaphore, #tpu.memory_space<semaphore_mem>>)
    %add3A_495 = arith.constant 2688 : i32
    %add3A_496 = arith.addi %mul3A_2, %add3A_495 : i32
    %dma_wait3A_497 = arith.constant 0 : i32
    %dma_wait3A_498 = tpu.memref_slice %arg4[%add3A_496, %dma_wait3A_497] : memref<131072x128xf32, #tpu.memory_space<hbm>> -> memref<128x128xf32, #tpu.memory_space<hbm>>
    %dma_wait3A_499 = arith.constant 0 : i32
    %dma_wait3A_500 = tpu.memref_slice %arg4[%add3A_496, %dma_wait3A_499] : memref<131072x128xf32, #tpu.memory_space<hbm>> -> memref<128x128xf32, #tpu.memory_space<hbm>>
    tpu.wait_dma2 semaphore(%arg11 : memref<!tpu.dma_semaphore, #tpu.memory_space<semaphore_mem>>) src(%arg7 : memref<128x128xf32, #tpu.memory_space<vmem>>) dst(%dma_wait3A_500 : memref<128x128xf32, #tpu.memory_space<hbm>>)
    %dma_start3A_501 = arith.constant 2944 : i32
    %dma_start3A_502 = tpu.memref_slice %arg5[%dma_start3A_501] : memref<4096xi32, #tpu.memory_space<vmem>> -> memref<128xi32, #tpu.memory_space<vmem>>
    %dma_start3A_503 = arith.constant 0 : i32
    %dma_start3A_504 = arith.constant 0 : i32
    %dma_start3A_505 = tpu.memref_slice %arg2[%dma_start3A_503, %dma_start3A_504] : memref<1000x128xf32, #tpu.memory_space<hbm>> -> memref<1000x128xf32, #tpu.memory_space<hbm>>
    tpu.enqueue_indirect_dma source(%dma_start3A_505 : memref<1000x128xf32, #tpu.memory_space<hbm>>) target(%arg7 : memref<128x128xf32, #tpu.memory_space<vmem>>) offsets(%dma_start3A_502 : memref<128xi32, #tpu.memory_space<vmem>>) semaphore(%arg9 : memref<!tpu.dma_semaphore, #tpu.memory_space<semaphore_mem>>)
    %dma_wait3A_506 = arith.constant 2944 : i32
    %dma_wait3A_507 = tpu.memref_slice %arg5[%dma_wait3A_506] : memref<4096xi32, #tpu.memory_space<vmem>> -> memref<128xi32, #tpu.memory_space<vmem>>
    %dma_wait3A_508 = arith.constant 0 : i32
    %dma_wait3A_509 = arith.constant 0 : i32
    %dma_wait3A_510 = tpu.memref_slice %arg2[%dma_wait3A_508, %dma_wait3A_509] : memref<1000x128xf32, #tpu.memory_space<hbm>> -> memref<1000x128xf32, #tpu.memory_space<hbm>>
    tpu.wait_indirect_dma semaphore(%arg9 : memref<!tpu.dma_semaphore, #tpu.memory_space<semaphore_mem>>) src(%dma_wait3A_510 : memref<1000x128xf32, #tpu.memory_space<hbm>>) dst(%arg7 : memref<128x128xf32, #tpu.memory_space<vmem>>)
    %add3A_511 = arith.constant 2944 : i32
    %add3A_512 = arith.addi %mul3A_2, %add3A_511 : i32
    %dma_start3A_513 = arith.constant 0 : i32
    %dma_start3A_514 = tpu.memref_slice %arg4[%add3A_512, %dma_start3A_513] : memref<131072x128xf32, #tpu.memory_space<hbm>> -> memref<128x128xf32, #tpu.memory_space<hbm>>
    %dma_start3A_515 = arith.constant 0 : i32
    %dma_start3A_516 = tpu.memref_slice %arg4[%add3A_512, %dma_start3A_515] : memref<131072x128xf32, #tpu.memory_space<hbm>> -> memref<128x128xf32, #tpu.memory_space<hbm>>
    tpu.enqueue_dma source(%arg7 : memref<128x128xf32, #tpu.memory_space<vmem>>) target(%dma_start3A_516 : memref<128x128xf32, #tpu.memory_space<hbm>>) target_semaphore(%arg11 : memref<!tpu.dma_semaphore, #tpu.memory_space<semaphore_mem>>)
    %add3A_517 = arith.constant 2816 : i32
    %add3A_518 = arith.addi %mul3A_2, %add3A_517 : i32
    %dma_wait3A_519 = arith.constant 0 : i32
    %dma_wait3A_520 = tpu.memref_slice %arg4[%add3A_518, %dma_wait3A_519] : memref<131072x128xf32, #tpu.memory_space<hbm>> -> memref<128x128xf32, #tpu.memory_space<hbm>>
    %dma_wait3A_521 = arith.constant 0 : i32
    %dma_wait3A_522 = tpu.memref_slice %arg4[%add3A_518, %dma_wait3A_521] : memref<131072x128xf32, #tpu.memory_space<hbm>> -> memref<128x128xf32, #tpu.memory_space<hbm>>
    tpu.wait_dma2 semaphore(%arg10 : memref<!tpu.dma_semaphore, #tpu.memory_space<semaphore_mem>>) src(%arg6 : memref<128x128xf32, #tpu.memory_space<vmem>>) dst(%dma_wait3A_522 : memref<128x128xf32, #tpu.memory_space<hbm>>)
    %dma_start3A_523 = arith.constant 3072 : i32
    %dma_start3A_524 = tpu.memref_slice %arg5[%dma_start3A_523] : memref<4096xi32, #tpu.memory_space<vmem>> -> memref<128xi32, #tpu.memory_space<vmem>>
    %dma_start3A_525 = arith.constant 0 : i32
    %dma_start3A_526 = arith.constant 0 : i32
    %dma_start3A_527 = tpu.memref_slice %arg2[%dma_start3A_525, %dma_start3A_526] : memref<1000x128xf32, #tpu.memory_space<hbm>> -> memref<1000x128xf32, #tpu.memory_space<hbm>>
    tpu.enqueue_indirect_dma source(%dma_start3A_527 : memref<1000x128xf32, #tpu.memory_space<hbm>>) target(%arg6 : memref<128x128xf32, #tpu.memory_space<vmem>>) offsets(%dma_start3A_524 : memref<128xi32, #tpu.memory_space<vmem>>) semaphore(%arg8 : memref<!tpu.dma_semaphore, #tpu.memory_space<semaphore_mem>>)
    %dma_wait3A_528 = arith.constant 3072 : i32
    %dma_wait3A_529 = tpu.memref_slice %arg5[%dma_wait3A_528] : memref<4096xi32, #tpu.memory_space<vmem>> -> memref<128xi32, #tpu.memory_space<vmem>>
    %dma_wait3A_530 = arith.constant 0 : i32
    %dma_wait3A_531 = arith.constant 0 : i32
    %dma_wait3A_532 = tpu.memref_slice %arg2[%dma_wait3A_530, %dma_wait3A_531] : memref<1000x128xf32, #tpu.memory_space<hbm>> -> memref<1000x128xf32, #tpu.memory_space<hbm>>
    tpu.wait_indirect_dma semaphore(%arg8 : memref<!tpu.dma_semaphore, #tpu.memory_space<semaphore_mem>>) src(%dma_wait3A_532 : memref<1000x128xf32, #tpu.memory_space<hbm>>) dst(%arg6 : memref<128x128xf32, #tpu.memory_space<vmem>>)
    %add3A_533 = arith.constant 3072 : i32
    %add3A_534 = arith.addi %mul3A_2, %add3A_533 : i32
    %dma_start3A_535 = arith.constant 0 : i32
    %dma_start3A_536 = tpu.memref_slice %arg4[%add3A_534, %dma_start3A_535] : memref<131072x128xf32, #tpu.memory_space<hbm>> -> memref<128x128xf32, #tpu.memory_space<hbm>>
    %dma_start3A_537 = arith.constant 0 : i32
    %dma_start3A_538 = tpu.memref_slice %arg4[%add3A_534, %dma_start3A_537] : memref<131072x128xf32, #tpu.memory_space<hbm>> -> memref<128x128xf32, #tpu.memory_space<hbm>>
    tpu.enqueue_dma source(%arg6 : memref<128x128xf32, #tpu.memory_space<vmem>>) target(%dma_start3A_538 : memref<128x128xf32, #tpu.memory_space<hbm>>) target_semaphore(%arg10 : memref<!tpu.dma_semaphore, #tpu.memory_space<semaphore_mem>>)
    %add3A_539 = arith.constant 2944 : i32
    %add3A_540 = arith.addi %mul3A_2, %add3A_539 : i32
    %dma_wait3A_541 = arith.constant 0 : i32
    %dma_wait3A_542 = tpu.memref_slice %arg4[%add3A_540, %dma_wait3A_541] : memref<131072x128xf32, #tpu.memory_space<hbm>> -> memref<128x128xf32, #tpu.memory_space<hbm>>
    %dma_wait3A_543 = arith.constant 0 : i32
    %dma_wait3A_544 = tpu.memref_slice %arg4[%add3A_540, %dma_wait3A_543] : memref<131072x128xf32, #tpu.memory_space<hbm>> -> memref<128x128xf32, #tpu.memory_space<hbm>>
    tpu.wait_dma2 semaphore(%arg11 : memref<!tpu.dma_semaphore, #tpu.memory_space<semaphore_mem>>) src(%arg7 : memref<128x128xf32, #tpu.memory_space<vmem>>) dst(%dma_wait3A_544 : memref<128x128xf32, #tpu.memory_space<hbm>>)
    %dma_start3A_545 = arith.constant 3200 : i32
    %dma_start3A_546 = tpu.memref_slice %arg5[%dma_start3A_545] : memref<4096xi32, #tpu.memory_space<vmem>> -> memref<128xi32, #tpu.memory_space<vmem>>
    %dma_start3A_547 = arith.constant 0 : i32
    %dma_start3A_548 = arith.constant 0 : i32
    %dma_start3A_549 = tpu.memref_slice %arg2[%dma_start3A_547, %dma_start3A_548] : memref<1000x128xf32, #tpu.memory_space<hbm>> -> memref<1000x128xf32, #tpu.memory_space<hbm>>
    tpu.enqueue_indirect_dma source(%dma_start3A_549 : memref<1000x128xf32, #tpu.memory_space<hbm>>) target(%arg7 : memref<128x128xf32, #tpu.memory_space<vmem>>) offsets(%dma_start3A_546 : memref<128xi32, #tpu.memory_space<vmem>>) semaphore(%arg9 : memref<!tpu.dma_semaphore, #tpu.memory_space<semaphore_mem>>)
    %dma_wait3A_550 = arith.constant 3200 : i32
    %dma_wait3A_551 = tpu.memref_slice %arg5[%dma_wait3A_550] : memref<4096xi32, #tpu.memory_space<vmem>> -> memref<128xi32, #tpu.memory_space<vmem>>
    %dma_wait3A_552 = arith.constant 0 : i32
    %dma_wait3A_553 = arith.constant 0 : i32
    %dma_wait3A_554 = tpu.memref_slice %arg2[%dma_wait3A_552, %dma_wait3A_553] : memref<1000x128xf32, #tpu.memory_space<hbm>> -> memref<1000x128xf32, #tpu.memory_space<hbm>>
    tpu.wait_indirect_dma semaphore(%arg9 : memref<!tpu.dma_semaphore, #tpu.memory_space<semaphore_mem>>) src(%dma_wait3A_554 : memref<1000x128xf32, #tpu.memory_space<hbm>>) dst(%arg7 : memref<128x128xf32, #tpu.memory_space<vmem>>)
    %add3A_555 = arith.constant 3200 : i32
    %add3A_556 = arith.addi %mul3A_2, %add3A_555 : i32
    %dma_start3A_557 = arith.constant 0 : i32
    %dma_start3A_558 = tpu.memref_slice %arg4[%add3A_556, %dma_start3A_557] : memref<131072x128xf32, #tpu.memory_space<hbm>> -> memref<128x128xf32, #tpu.memory_space<hbm>>
    %dma_start3A_559 = arith.constant 0 : i32
    %dma_start3A_560 = tpu.memref_slice %arg4[%add3A_556, %dma_start3A_559] : memref<131072x128xf32, #tpu.memory_space<hbm>> -> memref<128x128xf32, #tpu.memory_space<hbm>>
    tpu.enqueue_dma source(%arg7 : memref<128x128xf32, #tpu.memory_space<vmem>>) target(%dma_start3A_560 : memref<128x128xf32, #tpu.memory_space<hbm>>) target_semaphore(%arg11 : memref<!tpu.dma_semaphore, #tpu.memory_space<semaphore_mem>>)
    %add3A_561 = arith.constant 3072 : i32
    %add3A_562 = arith.addi %mul3A_2, %add3A_561 : i32
    %dma_wait3A_563 = arith.constant 0 : i32
    %dma_wait3A_564 = tpu.memref_slice %arg4[%add3A_562, %dma_wait3A_563] : memref<131072x128xf32, #tpu.memory_space<hbm>> -> memref<128x128xf32, #tpu.memory_space<hbm>>
    %dma_wait3A_565 = arith.constant 0 : i32
    %dma_wait3A_566 = tpu.memref_slice %arg4[%add3A_562, %dma_wait3A_565] : memref<131072x128xf32, #tpu.memory_space<hbm>> -> memref<128x128xf32, #tpu.memory_space<hbm>>
    tpu.wait_dma2 semaphore(%arg10 : memref<!tpu.dma_semaphore, #tpu.memory_space<semaphore_mem>>) src(%arg6 : memref<128x128xf32, #tpu.memory_space<vmem>>) dst(%dma_wait3A_566 : memref<128x128xf32, #tpu.memory_space<hbm>>)
    %dma_start3A_567 = arith.constant 3328 : i32
    %dma_start3A_568 = tpu.memref_slice %arg5[%dma_start3A_567] : memref<4096xi32, #tpu.memory_space<vmem>> -> memref<128xi32, #tpu.memory_space<vmem>>
    %dma_start3A_569 = arith.constant 0 : i32
    %dma_start3A_570 = arith.constant 0 : i32
    %dma_start3A_571 = tpu.memref_slice %arg2[%dma_start3A_569, %dma_start3A_570] : memref<1000x128xf32, #tpu.memory_space<hbm>> -> memref<1000x128xf32, #tpu.memory_space<hbm>>
    tpu.enqueue_indirect_dma source(%dma_start3A_571 : memref<1000x128xf32, #tpu.memory_space<hbm>>) target(%arg6 : memref<128x128xf32, #tpu.memory_space<vmem>>) offsets(%dma_start3A_568 : memref<128xi32, #tpu.memory_space<vmem>>) semaphore(%arg8 : memref<!tpu.dma_semaphore, #tpu.memory_space<semaphore_mem>>)
    %dma_wait3A_572 = arith.constant 3328 : i32
    %dma_wait3A_573 = tpu.memref_slice %arg5[%dma_wait3A_572] : memref<4096xi32, #tpu.memory_space<vmem>> -> memref<128xi32, #tpu.memory_space<vmem>>
    %dma_wait3A_574 = arith.constant 0 : i32
    %dma_wait3A_575 = arith.constant 0 : i32
    %dma_wait3A_576 = tpu.memref_slice %arg2[%dma_wait3A_574, %dma_wait3A_575] : memref<1000x128xf32, #tpu.memory_space<hbm>> -> memref<1000x128xf32, #tpu.memory_space<hbm>>
    tpu.wait_indirect_dma semaphore(%arg8 : memref<!tpu.dma_semaphore, #tpu.memory_space<semaphore_mem>>) src(%dma_wait3A_576 : memref<1000x128xf32, #tpu.memory_space<hbm>>) dst(%arg6 : memref<128x128xf32, #tpu.memory_space<vmem>>)
    %add3A_577 = arith.constant 3328 : i32
    %add3A_578 = arith.addi %mul3A_2, %add3A_577 : i32
    %dma_start3A_579 = arith.constant 0 : i32
    %dma_start3A_580 = tpu.memref_slice %arg4[%add3A_578, %dma_start3A_579] : memref<131072x128xf32, #tpu.memory_space<hbm>> -> memref<128x128xf32, #tpu.memory_space<hbm>>
    %dma_start3A_581 = arith.constant 0 : i32
    %dma_start3A_582 = tpu.memref_slice %arg4[%add3A_578, %dma_start3A_581] : memref<131072x128xf32, #tpu.memory_space<hbm>> -> memref<128x128xf32, #tpu.memory_space<hbm>>
    tpu.enqueue_dma source(%arg6 : memref<128x128xf32, #tpu.memory_space<vmem>>) target(%dma_start3A_582 : memref<128x128xf32, #tpu.memory_space<hbm>>) target_semaphore(%arg10 : memref<!tpu.dma_semaphore, #tpu.memory_space<semaphore_mem>>)
    %add3A_583 = arith.constant 3200 : i32
    %add3A_584 = arith.addi %mul3A_2, %add3A_583 : i32
    %dma_wait3A_585 = arith.constant 0 : i32
    %dma_wait3A_586 = tpu.memref_slice %arg4[%add3A_584, %dma_wait3A_585] : memref<131072x128xf32, #tpu.memory_space<hbm>> -> memref<128x128xf32, #tpu.memory_space<hbm>>
    %dma_wait3A_587 = arith.constant 0 : i32
    %dma_wait3A_588 = tpu.memref_slice %arg4[%add3A_584, %dma_wait3A_587] : memref<131072x128xf32, #tpu.memory_space<hbm>> -> memref<128x128xf32, #tpu.memory_space<hbm>>
    tpu.wait_dma2 semaphore(%arg11 : memref<!tpu.dma_semaphore, #tpu.memory_space<semaphore_mem>>) src(%arg7 : memref<128x128xf32, #tpu.memory_space<vmem>>) dst(%dma_wait3A_588 : memref<128x128xf32, #tpu.memory_space<hbm>>)
    %dma_start3A_589 = arith.constant 3456 : i32
    %dma_start3A_590 = tpu.memref_slice %arg5[%dma_start3A_589] : memref<4096xi32, #tpu.memory_space<vmem>> -> memref<128xi32, #tpu.memory_space<vmem>>
    %dma_start3A_591 = arith.constant 0 : i32
    %dma_start3A_592 = arith.constant 0 : i32
    %dma_start3A_593 = tpu.memref_slice %arg2[%dma_start3A_591, %dma_start3A_592] : memref<1000x128xf32, #tpu.memory_space<hbm>> -> memref<1000x128xf32, #tpu.memory_space<hbm>>
    tpu.enqueue_indirect_dma source(%dma_start3A_593 : memref<1000x128xf32, #tpu.memory_space<hbm>>) target(%arg7 : memref<128x128xf32, #tpu.memory_space<vmem>>) offsets(%dma_start3A_590 : memref<128xi32, #tpu.memory_space<vmem>>) semaphore(%arg9 : memref<!tpu.dma_semaphore, #tpu.memory_space<semaphore_mem>>)
    %dma_wait3A_594 = arith.constant 3456 : i32
    %dma_wait3A_595 = tpu.memref_slice %arg5[%dma_wait3A_594] : memref<4096xi32, #tpu.memory_space<vmem>> -> memref<128xi32, #tpu.memory_space<vmem>>
    %dma_wait3A_596 = arith.constant 0 : i32
    %dma_wait3A_597 = arith.constant 0 : i32
    %dma_wait3A_598 = tpu.memref_slice %arg2[%dma_wait3A_596, %dma_wait3A_597] : memref<1000x128xf32, #tpu.memory_space<hbm>> -> memref<1000x128xf32, #tpu.memory_space<hbm>>
    tpu.wait_indirect_dma semaphore(%arg9 : memref<!tpu.dma_semaphore, #tpu.memory_space<semaphore_mem>>) src(%dma_wait3A_598 : memref<1000x128xf32, #tpu.memory_space<hbm>>) dst(%arg7 : memref<128x128xf32, #tpu.memory_space<vmem>>)
    %add3A_599 = arith.constant 3456 : i32
    %add3A_600 = arith.addi %mul3A_2, %add3A_599 : i32
    %dma_start3A_601 = arith.constant 0 : i32
    %dma_start3A_602 = tpu.memref_slice %arg4[%add3A_600, %dma_start3A_601] : memref<131072x128xf32, #tpu.memory_space<hbm>> -> memref<128x128xf32, #tpu.memory_space<hbm>>
    %dma_start3A_603 = arith.constant 0 : i32
    %dma_start3A_604 = tpu.memref_slice %arg4[%add3A_600, %dma_start3A_603] : memref<131072x128xf32, #tpu.memory_space<hbm>> -> memref<128x128xf32, #tpu.memory_space<hbm>>
    tpu.enqueue_dma source(%arg7 : memref<128x128xf32, #tpu.memory_space<vmem>>) target(%dma_start3A_604 : memref<128x128xf32, #tpu.memory_space<hbm>>) target_semaphore(%arg11 : memref<!tpu.dma_semaphore, #tpu.memory_space<semaphore_mem>>)
    %add3A_605 = arith.constant 3328 : i32
    %add3A_606 = arith.addi %mul3A_2, %add3A_605 : i32
    %dma_wait3A_607 = arith.constant 0 : i32
    %dma_wait3A_608 = tpu.memref_slice %arg4[%add3A_606, %dma_wait3A_607] : memref<131072x128xf32, #tpu.memory_space<hbm>> -> memref<128x128xf32, #tpu.memory_space<hbm>>
    %dma_wait3A_609 = arith.constant 0 : i32
    %dma_wait3A_610 = tpu.memref_slice %arg4[%add3A_606, %dma_wait3A_609] : memref<131072x128xf32, #tpu.memory_space<hbm>> -> memref<128x128xf32, #tpu.memory_space<hbm>>
    tpu.wait_dma2 semaphore(%arg10 : memref<!tpu.dma_semaphore, #tpu.memory_space<semaphore_mem>>) src(%arg6 : memref<128x128xf32, #tpu.memory_space<vmem>>) dst(%dma_wait3A_610 : memref<128x128xf32, #tpu.memory_space<hbm>>)
    %dma_start3A_611 = arith.constant 3584 : i32
    %dma_start3A_612 = tpu.memref_slice %arg5[%dma_start3A_611] : memref<4096xi32, #tpu.memory_space<vmem>> -> memref<128xi32, #tpu.memory_space<vmem>>
    %dma_start3A_613 = arith.constant 0 : i32
    %dma_start3A_614 = arith.constant 0 : i32
    %dma_start3A_615 = tpu.memref_slice %arg2[%dma_start3A_613, %dma_start3A_614] : memref<1000x128xf32, #tpu.memory_space<hbm>> -> memref<1000x128xf32, #tpu.memory_space<hbm>>
    tpu.enqueue_indirect_dma source(%dma_start3A_615 : memref<1000x128xf32, #tpu.memory_space<hbm>>) target(%arg6 : memref<128x128xf32, #tpu.memory_space<vmem>>) offsets(%dma_start3A_612 : memref<128xi32, #tpu.memory_space<vmem>>) semaphore(%arg8 : memref<!tpu.dma_semaphore, #tpu.memory_space<semaphore_mem>>)
    %dma_wait3A_616 = arith.constant 3584 : i32
    %dma_wait3A_617 = tpu.memref_slice %arg5[%dma_wait3A_616] : memref<4096xi32, #tpu.memory_space<vmem>> -> memref<128xi32, #tpu.memory_space<vmem>>
    %dma_wait3A_618 = arith.constant 0 : i32
    %dma_wait3A_619 = arith.constant 0 : i32
    %dma_wait3A_620 = tpu.memref_slice %arg2[%dma_wait3A_618, %dma_wait3A_619] : memref<1000x128xf32, #tpu.memory_space<hbm>> -> memref<1000x128xf32, #tpu.memory_space<hbm>>
    tpu.wait_indirect_dma semaphore(%arg8 : memref<!tpu.dma_semaphore, #tpu.memory_space<semaphore_mem>>) src(%dma_wait3A_620 : memref<1000x128xf32, #tpu.memory_space<hbm>>) dst(%arg6 : memref<128x128xf32, #tpu.memory_space<vmem>>)
    %add3A_621 = arith.constant 3584 : i32
    %add3A_622 = arith.addi %mul3A_2, %add3A_621 : i32
    %dma_start3A_623 = arith.constant 0 : i32
    %dma_start3A_624 = tpu.memref_slice %arg4[%add3A_622, %dma_start3A_623] : memref<131072x128xf32, #tpu.memory_space<hbm>> -> memref<128x128xf32, #tpu.memory_space<hbm>>
    %dma_start3A_625 = arith.constant 0 : i32
    %dma_start3A_626 = tpu.memref_slice %arg4[%add3A_622, %dma_start3A_625] : memref<131072x128xf32, #tpu.memory_space<hbm>> -> memref<128x128xf32, #tpu.memory_space<hbm>>
    tpu.enqueue_dma source(%arg6 : memref<128x128xf32, #tpu.memory_space<vmem>>) target(%dma_start3A_626 : memref<128x128xf32, #tpu.memory_space<hbm>>) target_semaphore(%arg10 : memref<!tpu.dma_semaphore, #tpu.memory_space<semaphore_mem>>)
    %add3A_627 = arith.constant 3456 : i32
    %add3A_628 = arith.addi %mul3A_2, %add3A_627 : i32
    %dma_wait3A_629 = arith.constant 0 : i32
    %dma_wait3A_630 = tpu.memref_slice %arg4[%add3A_628, %dma_wait3A_629] : memref<131072x128xf32, #tpu.memory_space<hbm>> -> memref<128x128xf32, #tpu.memory_space<hbm>>
    %dma_wait3A_631 = arith.constant 0 : i32
    %dma_wait3A_632 = tpu.memref_slice %arg4[%add3A_628, %dma_wait3A_631] : memref<131072x128xf32, #tpu.memory_space<hbm>> -> memref<128x128xf32, #tpu.memory_space<hbm>>
    tpu.wait_dma2 semaphore(%arg11 : memref<!tpu.dma_semaphore, #tpu.memory_space<semaphore_mem>>) src(%arg7 : memref<128x128xf32, #tpu.memory_space<vmem>>) dst(%dma_wait3A_632 : memref<128x128xf32, #tpu.memory_space<hbm>>)
    %dma_start3A_633 = arith.constant 3712 : i32
    %dma_start3A_634 = tpu.memref_slice %arg5[%dma_start3A_633] : memref<4096xi32, #tpu.memory_space<vmem>> -> memref<128xi32, #tpu.memory_space<vmem>>
    %dma_start3A_635 = arith.constant 0 : i32
    %dma_start3A_636 = arith.constant 0 : i32
    %dma_start3A_637 = tpu.memref_slice %arg2[%dma_start3A_635, %dma_start3A_636] : memref<1000x128xf32, #tpu.memory_space<hbm>> -> memref<1000x128xf32, #tpu.memory_space<hbm>>
    tpu.enqueue_indirect_dma source(%dma_start3A_637 : memref<1000x128xf32, #tpu.memory_space<hbm>>) target(%arg7 : memref<128x128xf32, #tpu.memory_space<vmem>>) offsets(%dma_start3A_634 : memref<128xi32, #tpu.memory_space<vmem>>) semaphore(%arg9 : memref<!tpu.dma_semaphore, #tpu.memory_space<semaphore_mem>>)
    %dma_wait3A_638 = arith.constant 3712 : i32
    %dma_wait3A_639 = tpu.memref_slice %arg5[%dma_wait3A_638] : memref<4096xi32, #tpu.memory_space<vmem>> -> memref<128xi32, #tpu.memory_space<vmem>>
    %dma_wait3A_640 = arith.constant 0 : i32
    %dma_wait3A_641 = arith.constant 0 : i32
    %dma_wait3A_642 = tpu.memref_slice %arg2[%dma_wait3A_640, %dma_wait3A_641] : memref<1000x128xf32, #tpu.memory_space<hbm>> -> memref<1000x128xf32, #tpu.memory_space<hbm>>
    tpu.wait_indirect_dma semaphore(%arg9 : memref<!tpu.dma_semaphore, #tpu.memory_space<semaphore_mem>>) src(%dma_wait3A_642 : memref<1000x128xf32, #tpu.memory_space<hbm>>) dst(%arg7 : memref<128x128xf32, #tpu.memory_space<vmem>>)
    %add3A_643 = arith.constant 3712 : i32
    %add3A_644 = arith.addi %mul3A_2, %add3A_643 : i32
    %dma_start3A_645 = arith.constant 0 : i32
    %dma_start3A_646 = tpu.memref_slice %arg4[%add3A_644, %dma_start3A_645] : memref<131072x128xf32, #tpu.memory_space<hbm>> -> memref<128x128xf32, #tpu.memory_space<hbm>>
    %dma_start3A_647 = arith.constant 0 : i32
    %dma_start3A_648 = tpu.memref_slice %arg4[%add3A_644, %dma_start3A_647] : memref<131072x128xf32, #tpu.memory_space<hbm>> -> memref<128x128xf32, #tpu.memory_space<hbm>>
    tpu.enqueue_dma source(%arg7 : memref<128x128xf32, #tpu.memory_space<vmem>>) target(%dma_start3A_648 : memref<128x128xf32, #tpu.memory_space<hbm>>) target_semaphore(%arg11 : memref<!tpu.dma_semaphore, #tpu.memory_space<semaphore_mem>>)
    %add3A_649 = arith.constant 3584 : i32
    %add3A_650 = arith.addi %mul3A_2, %add3A_649 : i32
    %dma_wait3A_651 = arith.constant 0 : i32
    %dma_wait3A_652 = tpu.memref_slice %arg4[%add3A_650, %dma_wait3A_651] : memref<131072x128xf32, #tpu.memory_space<hbm>> -> memref<128x128xf32, #tpu.memory_space<hbm>>
    %dma_wait3A_653 = arith.constant 0 : i32
    %dma_wait3A_654 = tpu.memref_slice %arg4[%add3A_650, %dma_wait3A_653] : memref<131072x128xf32, #tpu.memory_space<hbm>> -> memref<128x128xf32, #tpu.memory_space<hbm>>
    tpu.wait_dma2 semaphore(%arg10 : memref<!tpu.dma_semaphore, #tpu.memory_space<semaphore_mem>>) src(%arg6 : memref<128x128xf32, #tpu.memory_space<vmem>>) dst(%dma_wait3A_654 : memref<128x128xf32, #tpu.memory_space<hbm>>)
    %dma_start3A_655 = arith.constant 3840 : i32
    %dma_start3A_656 = tpu.memref_slice %arg5[%dma_start3A_655] : memref<4096xi32, #tpu.memory_space<vmem>> -> memref<128xi32, #tpu.memory_space<vmem>>
    %dma_start3A_657 = arith.constant 0 : i32
    %dma_start3A_658 = arith.constant 0 : i32
    %dma_start3A_659 = tpu.memref_slice %arg2[%dma_start3A_657, %dma_start3A_658] : memref<1000x128xf32, #tpu.memory_space<hbm>> -> memref<1000x128xf32, #tpu.memory_space<hbm>>
    tpu.enqueue_indirect_dma source(%dma_start3A_659 : memref<1000x128xf32, #tpu.memory_space<hbm>>) target(%arg6 : memref<128x128xf32, #tpu.memory_space<vmem>>) offsets(%dma_start3A_656 : memref<128xi32, #tpu.memory_space<vmem>>) semaphore(%arg8 : memref<!tpu.dma_semaphore, #tpu.memory_space<semaphore_mem>>)
    %dma_wait3A_660 = arith.constant 3840 : i32
    %dma_wait3A_661 = tpu.memref_slice %arg5[%dma_wait3A_660] : memref<4096xi32, #tpu.memory_space<vmem>> -> memref<128xi32, #tpu.memory_space<vmem>>
    %dma_wait3A_662 = arith.constant 0 : i32
    %dma_wait3A_663 = arith.constant 0 : i32
    %dma_wait3A_664 = tpu.memref_slice %arg2[%dma_wait3A_662, %dma_wait3A_663] : memref<1000x128xf32, #tpu.memory_space<hbm>> -> memref<1000x128xf32, #tpu.memory_space<hbm>>
    tpu.wait_indirect_dma semaphore(%arg8 : memref<!tpu.dma_semaphore, #tpu.memory_space<semaphore_mem>>) src(%dma_wait3A_664 : memref<1000x128xf32, #tpu.memory_space<hbm>>) dst(%arg6 : memref<128x128xf32, #tpu.memory_space<vmem>>)
    %add3A_665 = arith.constant 3840 : i32
    %add3A_666 = arith.addi %mul3A_2, %add3A_665 : i32
    %dma_start3A_667 = arith.constant 0 : i32
    %dma_start3A_668 = tpu.memref_slice %arg4[%add3A_666, %dma_start3A_667] : memref<131072x128xf32, #tpu.memory_space<hbm>> -> memref<128x128xf32, #tpu.memory_space<hbm>>
    %dma_start3A_669 = arith.constant 0 : i32
    %dma_start3A_670 = tpu.memref_slice %arg4[%add3A_666, %dma_start3A_669] : memref<131072x128xf32, #tpu.memory_space<hbm>> -> memref<128x128xf32, #tpu.memory_space<hbm>>
    tpu.enqueue_dma source(%arg6 : memref<128x128xf32, #tpu.memory_space<vmem>>) target(%dma_start3A_670 : memref<128x128xf32, #tpu.memory_space<hbm>>) target_semaphore(%arg10 : memref<!tpu.dma_semaphore, #tpu.memory_space<semaphore_mem>>)
    %add3A_671 = arith.constant 3712 : i32
    %add3A_672 = arith.addi %mul3A_2, %add3A_671 : i32
    %dma_wait3A_673 = arith.constant 0 : i32
    %dma_wait3A_674 = tpu.memref_slice %arg4[%add3A_672, %dma_wait3A_673] : memref<131072x128xf32, #tpu.memory_space<hbm>> -> memref<128x128xf32, #tpu.memory_space<hbm>>
    %dma_wait3A_675 = arith.constant 0 : i32
    %dma_wait3A_676 = tpu.memref_slice %arg4[%add3A_672, %dma_wait3A_675] : memref<131072x128xf32, #tpu.memory_space<hbm>> -> memref<128x128xf32, #tpu.memory_space<hbm>>
    tpu.wait_dma2 semaphore(%arg11 : memref<!tpu.dma_semaphore, #tpu.memory_space<semaphore_mem>>) src(%arg7 : memref<128x128xf32, #tpu.memory_space<vmem>>) dst(%dma_wait3A_676 : memref<128x128xf32, #tpu.memory_space<hbm>>)
    %dma_start3A_677 = arith.constant 3968 : i32
    %dma_start3A_678 = tpu.memref_slice %arg5[%dma_start3A_677] : memref<4096xi32, #tpu.memory_space<vmem>> -> memref<128xi32, #tpu.memory_space<vmem>>
    %dma_start3A_679 = arith.constant 0 : i32
    %dma_start3A_680 = arith.constant 0 : i32
    %dma_start3A_681 = tpu.memref_slice %arg2[%dma_start3A_679, %dma_start3A_680] : memref<1000x128xf32, #tpu.memory_space<hbm>> -> memref<1000x128xf32, #tpu.memory_space<hbm>>
    tpu.enqueue_indirect_dma source(%dma_start3A_681 : memref<1000x128xf32, #tpu.memory_space<hbm>>) target(%arg7 : memref<128x128xf32, #tpu.memory_space<vmem>>) offsets(%dma_start3A_678 : memref<128xi32, #tpu.memory_space<vmem>>) semaphore(%arg9 : memref<!tpu.dma_semaphore, #tpu.memory_space<semaphore_mem>>)
    %dma_wait3A_682 = arith.constant 3968 : i32
    %dma_wait3A_683 = tpu.memref_slice %arg5[%dma_wait3A_682] : memref<4096xi32, #tpu.memory_space<vmem>> -> memref<128xi32, #tpu.memory_space<vmem>>
    %dma_wait3A_684 = arith.constant 0 : i32
    %dma_wait3A_685 = arith.constant 0 : i32
    %dma_wait3A_686 = tpu.memref_slice %arg2[%dma_wait3A_684, %dma_wait3A_685] : memref<1000x128xf32, #tpu.memory_space<hbm>> -> memref<1000x128xf32, #tpu.memory_space<hbm>>
    tpu.wait_indirect_dma semaphore(%arg9 : memref<!tpu.dma_semaphore, #tpu.memory_space<semaphore_mem>>) src(%dma_wait3A_686 : memref<1000x128xf32, #tpu.memory_space<hbm>>) dst(%arg7 : memref<128x128xf32, #tpu.memory_space<vmem>>)
    %add3A_687 = arith.constant 3968 : i32
    %add3A_688 = arith.addi %mul3A_2, %add3A_687 : i32
    %dma_start3A_689 = arith.constant 0 : i32
    %dma_start3A_690 = tpu.memref_slice %arg4[%add3A_688, %dma_start3A_689] : memref<131072x128xf32, #tpu.memory_space<hbm>> -> memref<128x128xf32, #tpu.memory_space<hbm>>
    %dma_start3A_691 = arith.constant 0 : i32
    %dma_start3A_692 = tpu.memref_slice %arg4[%add3A_688, %dma_start3A_691] : memref<131072x128xf32, #tpu.memory_space<hbm>> -> memref<128x128xf32, #tpu.memory_space<hbm>>
    tpu.enqueue_dma source(%arg7 : memref<128x128xf32, #tpu.memory_space<vmem>>) target(%dma_start3A_692 : memref<128x128xf32, #tpu.memory_space<hbm>>) target_semaphore(%arg11 : memref<!tpu.dma_semaphore, #tpu.memory_space<semaphore_mem>>)
    %add3A_693 = arith.constant 3840 : i32
    %add3A_694 = arith.addi %mul3A_2, %add3A_693 : i32
    %dma_wait3A_695 = arith.constant 0 : i32
    %dma_wait3A_696 = tpu.memref_slice %arg4[%add3A_694, %dma_wait3A_695] : memref<131072x128xf32, #tpu.memory_space<hbm>> -> memref<128x128xf32, #tpu.memory_space<hbm>>
    %dma_wait3A_697 = arith.constant 0 : i32
    %dma_wait3A_698 = tpu.memref_slice %arg4[%add3A_694, %dma_wait3A_697] : memref<131072x128xf32, #tpu.memory_space<hbm>> -> memref<128x128xf32, #tpu.memory_space<hbm>>
    tpu.wait_dma2 semaphore(%arg10 : memref<!tpu.dma_semaphore, #tpu.memory_space<semaphore_mem>>) src(%arg6 : memref<128x128xf32, #tpu.memory_space<vmem>>) dst(%dma_wait3A_698 : memref<128x128xf32, #tpu.memory_space<hbm>>)
    %add3A_699 = arith.constant 3968 : i32
    %add3A_700 = arith.addi %mul3A_2, %add3A_699 : i32
    %dma_wait3A_701 = arith.constant 0 : i32
    %dma_wait3A_702 = tpu.memref_slice %arg4[%add3A_700, %dma_wait3A_701] : memref<131072x128xf32, #tpu.memory_space<hbm>> -> memref<128x128xf32, #tpu.memory_space<hbm>>
    %dma_wait3A_703 = arith.constant 0 : i32
    %dma_wait3A_704 = tpu.memref_slice %arg4[%add3A_700, %dma_wait3A_703] : memref<131072x128xf32, #tpu.memory_space<hbm>> -> memref<128x128xf32, #tpu.memory_space<hbm>>
    tpu.wait_dma2 semaphore(%arg11 : memref<!tpu.dma_semaphore, #tpu.memory_space<semaphore_mem>>) src(%arg7 : memref<128x128xf32, #tpu.memory_space<vmem>>) dst(%dma_wait3A_704 : memref<128x128xf32, #tpu.memory_space<hbm>>)
    return
  }
}

module attributes {stable_mosaic.version = 14 : i64} {
  func.func @_proj_body(%arg0: i32, %arg1: memref<64x8x128xf32, #tpu.memory_space<vmem>>, %arg2: memref<8x128xf32, #tpu.memory_space<vmem>>, %arg3: memref<128x1000xf32, #tpu.memory_space<vmem>>, %arg4: memref<1x1000xf32, #tpu.memory_space<vmem>>, %arg5: memref<64x8x1000xf32, #tpu.memory_space<vmem>>) attributes {dimension_semantics = [#tpu.dimension_semantics<arbitrary>], iteration_bounds = array<i64: 256>, scalar_prefetch = 0 : i64, scratch_operands = 0 : i64, tpu.core_type = #tpu.core_type<tc>, window_params = [{transform_indices = @transform_0, window_bounds = array<i64: 64, 8, 128>}, {pipeline_mode = #tpu.pipeline_mode<synchronous>, transform_indices = @transform_1, window_bounds = array<i64: 8, 128>}, {pipeline_mode = #tpu.pipeline_mode<synchronous>, transform_indices = @transform_2, window_bounds = array<i64: 128, 1000>}, {pipeline_mode = #tpu.pipeline_mode<synchronous>, transform_indices = @transform_3, window_bounds = array<i64: 1, 1000>}, {transform_indices = @transform_4, window_bounds = array<i64: 64, 8, 1000>}]} {
    %get3A = arith.constant 0 : index
    %get3A_0 = arith.constant 0 : index
    %get3A_1 = arith.constant 0 : index
    %get3A_2 = vector.load %arg1[%get3A, %get3A_0, %get3A_1] : memref<64x8x128xf32, #tpu.memory_space<vmem>>, vector<64x8x128xf32>
    %get3A_3 = arith.constant 0 : index
    %get3A_4 = arith.constant 0 : index
    %get3A_5 = vector.load %arg2[%get3A_3, %get3A_4] : memref<8x128xf32, #tpu.memory_space<vmem>>, vector<8x128xf32>
    %broadcast_in_dim3A = vector.shape_cast %get3A_5 : vector<8x128xf32> to vector<1x8x128xf32>
    %add3A = vector.broadcast %broadcast_in_dim3A : vector<1x8x128xf32> to vector<64x8x128xf32>
    %add3A_6 = arith.addf %get3A_2, %add3A : vector<64x8x128xf32>
    %reshape3A = vector.shape_cast %add3A_6 : vector<64x8x128xf32> to vector<512x128xf32>
    %get3A_7 = arith.constant 0 : index
    %get3A_8 = arith.constant 0 : index
    %get3A_9 = vector.load %arg3[%get3A_7, %get3A_8] : memref<128x1000xf32, #tpu.memory_space<vmem>>, vector<128x1000xf32>
    %dot_general3A = arith.constant dense<0.000000e+00> : vector<512x1000xf32>
    %dot_general3A_10 = tpu.matmul %reshape3A, %get3A_9, %dot_general3A {dimension_numbers = #tpu.dot_dimension_numbers<[1], [0], [0], [1], [0, 0, 1, 1], [], []>, transpose_lhs_hint = false} : vector<512x128xf32>, vector<128x1000xf32>, vector<512x1000xf32> -> vector<512x1000xf32>
    %reshape3A_11 = vector.shape_cast %dot_general3A_10 : vector<512x1000xf32> to vector<64x8x1000xf32>
    %get3A_12 = arith.constant 0 : index
    %get3A_13 = arith.constant 0 : index
    %get3A_14 = vector.load %arg4[%get3A_12, %get3A_13] : memref<1x1000xf32, #tpu.memory_space<vmem>>, vector<1x1000xf32>
    %broadcast_in_dim3A_15 = vector.shape_cast %get3A_14 : vector<1x1000xf32> to vector<1x1x1000xf32>
    %add3A_16 = vector.broadcast %broadcast_in_dim3A_15 : vector<1x1x1000xf32> to vector<64x8x1000xf32>
    %add3A_17 = arith.addf %reshape3A_11, %add3A_16 : vector<64x8x1000xf32>
    %swap3A = arith.constant 0 : index
    %swap3A_18 = arith.constant 0 : index
    %swap3A_19 = arith.constant 0 : index
    %swap3A_20 = vector.load %arg5[%swap3A, %swap3A_18, %swap3A_19] : memref<64x8x1000xf32, #tpu.memory_space<vmem>>, vector<64x8x1000xf32>
    tpu.vector_store %arg5[%swap3A, %swap3A_18, %swap3A_19], %add3A_17 {strides = array<i32>} : memref<64x8x1000xf32, #tpu.memory_space<vmem>>, vector<64x8x1000xf32>,
    return
  }
  func.func @transform_0(%arg0: i32) -> (i32, i32, i32) {
    %c0_i32 = arith.constant 0 : i32
    %c0_i32_0 = arith.constant 0 : i32
    %c0_i32_1 = arith.constant 0 : i32
    return %arg0, %c0_i32, %c0_i32_0 : i32, i32, i32
  }
  func.func @transform_1(%arg0: i32) -> (i32, i32) {
    %c0_i32 = arith.constant 0 : i32
    %c0_i32_0 = arith.constant 0 : i32
    %c0_i32_1 = arith.constant 0 : i32
    return %c0_i32, %c0_i32_0 : i32, i32
  }
  func.func @transform_2(%arg0: i32) -> (i32, i32) {
    %c0_i32 = arith.constant 0 : i32
    %c0_i32_0 = arith.constant 0 : i32
    %c0_i32_1 = arith.constant 0 : i32
    return %c0_i32, %c0_i32_0 : i32, i32
  }
  func.func @transform_3(%arg0: i32) -> (i32, i32) {
    %c0_i32 = arith.constant 0 : i32
    %c0_i32_0 = arith.constant 0 : i32
    %c0_i32_1 = arith.constant 0 : i32
    return %c0_i32, %c0_i32_0 : i32, i32
  }
  func.func @transform_4(%arg0: i32) -> (i32, i32, i32) {
    %c0_i32 = arith.constant 0 : i32
    %c0_i32_0 = arith.constant 0 : i32
    %c0_i32_1 = arith.constant 0 : i32
    return %arg0, %c0_i32, %c0_i32_0 : i32, i32, i32
  }
}

</mosaic_0001>

<sc_bundles>
// kernel: kernel.4.cloned.1.call-start
scs
__scs_entry_jumppad:
0x0: {  	(pc) =	sbr.rel $0x88, $3  }
0x1: {  	(tag) =	ssettag $0x0;
	lr =	simm.s32 $0x1  }
0x2: {  	[smem:$0x3F9C] =	sst lr;
	_ =	strace $0xD0000000  }
0x3: {  	_ = 	snop  }
0x4: {  	_ = 	snop  }
0x5: {  	_ = 	snop  }
0x6: {  	_ = 	snop  }
0x7: {  	_ = 	snop  }
__scs_overlays_trampoline_lowered:
0x8: {  	[smem:$0x3FAB] =	sst s0  }
0x9: {  	[smem:$0x3FAC] =	sst s1  }
0xa: {  	[smem:$0x3FAD] =	sst s2  }
0xb: {  	[smem:$0x3FAE] =	sst s3  }
0xc: {  	[smem:$0x3FAF] =	sst s4  }
0xd: {  	[smem:$0x3FB0] =	sst s5  }
0xe: {  	[smem:$0x3FB1] =	sst s6  }
0xf: {  	[smem:$0x3FB2] =	sst s7  }
0x10: {  	[smem:$0x3FB3] =	sst s8  }
0x11: {  	[smem:$0x3FB4] =	sst s9;
	s0 =	simm.s32 @!p0 $0x0  }
0x12: {  	s1 =	sld [smem:$0x3F9A];
	s0 =	simm.s32 @p0 $0x1  }
0x13: {  	[smem:$0x3FB5] =	sst s0;
	s0 =	simm.s32 @!p1 $0x0  }
0x14: {  	s2 =	sld [smem:$0x3F99];
	s0 =	simm.s32 @p1 $0x1  }
0x15: {  	[smem:$0x3FB6] =	sst s0;
	s0 =	simm.s32 @!p2 $0x0  }
0x16: {  	s3 =	sld [smem:$0x3FDB];
	s0 =	simm.s32 @p2 $0x1  }
0x17: {  	s4 =	simm.s32 $0x1BF5;
	[smem:$0x3FB8] =	sst s0  }
0x18: {  	s0 =	sld [smem:$0x3F9B];
	_ =	swait.ge [sflag:s4], $0x0  }
0x19: {  	s7 =	sld [smem:$0x3F9C]  }
0x1a: {  	s8 =	sadd.s32 $0xFFFFE003, lr  }
0x1b: {  	s9 =	sadd.s32 $0xFFFFFEF7, lr;
	s5 =	simm.s32 $0xFFFFFFFF;
	p2 =	slt.u32 s8, $0xFFFFF086  }
0x1c: {  	p1 =	slt.u32 s9, $0xF7A;
	s5 =	simm.s32 @!p2 $0x0  }
0x1d: {  	s5 =	simm.s32 @p1 $0x1;
	p0 =	seq.s32 s7, s2  }
0x1e: {  	s7 =	smul.u32 @!p0 $0xF7A, s2;
	p2 =	seq.s32 @!p0 s5, $0x0  }
0x1f: {  	s9 =	smul.u32 $0xF7A, s1;
	s8 =	simm.s32 @!p0 $0x1BF5;
	p2 =	por !p2, p0  }
0x20: {  	[sflag:s8] =	ssyncset.s32 @!p0 $0xFFFFF086;
	s6 =	sadd.s32 @!p0 s3, s7;
	s7 =	simm.s32 @!p0 $0x108  }
0x21: {  	s3 =	sadd.s32 s3, s9;
	s6 =	sadd.s32 @!p0 $0x88, s6;
	s7 =	simm.s32 @p2 $0x1082  }
0x22: {  	[simem:s7], [sflag:s8] =	dma.local @!p0 [hbm:s6], $0xF7A  }
0x23: {  	s9 =	sor.u32 $0xD0000000, s2;
	s6 =	simm.s32 $0x108;
	_ =	swait.ge @!p0 [sflag:s8], $0x0  }
0x24: {  	s3 =	sadd.s32 $0x88, s3;
	s6 =	simm.s32 @!p1 $0x1082;
	[sflag:s4] =	ssyncset.s32 $0xFFFFF086  }
0x25: {  	[simem:s6], [sflag:s4] =	dma.local [hbm:s3], $0xF7A  }
0x26: {  	[smem:$0x3F9C] =	sst s1;
	(tag) =	ssettag s2;
	_ =	strace s9  }
0x27: {  	s1 =	sld [smem:$0x3FAC]  }
0x28: {  	s2 =	sld [smem:$0x3FAD]  }
0x29: {  	s4 =	sld [smem:$0x3FAF]  }
0x2a: {  	p0 =	seq.s32 s5, $0x0;
	s5 =	sld [smem:$0x3FB0]  }
0x2b: {  	s6 =	sld [smem:$0x3FB1]  }
0x2c: {  	s7 =	sld [smem:$0x3FB2]  }
0x2d: {  	s3 =	simm.s32 $0x108;
	s8 =	sld [smem:$0x3FB3]  }
0x2e: {  	s3 =	simm.s32 @!p0 $0x1082;
	s9 =	sld [smem:$0x3FB4]  }
0x2f: {  	lr =	sadd.s32 s0, s3;
	s0 =	sld [smem:$0x3FAB]  }
0x30: {  	s3 =	sld [smem:$0x3FAE]  }
0x31: {  	[smem:$0x3FB7] =	sst s10  }
0x32: {  	s10 =	sld [smem:$0x3FB5];
	_ =	sdelay $0x3  }
0x33: {  	p0 =	seq.s32 s10, $0x1;
	s10 =	sld [smem:$0x3FB7];
	_ =	sdelay $0x3  }
0x34: {  	[smem:$0x3FB7] =	sst s10  }
0x35: {  	s10 =	sld [smem:$0x3FB6];
	_ =	sdelay $0x3  }
0x36: {  	p1 =	seq.s32 s10, $0x1;
	s10 =	sld [smem:$0x3FB7];
	_ =	sdelay $0x3  }
0x37: {  	[smem:$0x3FB7] =	sst s10  }
0x38: {  	s10 =	sld [smem:$0x3FB8]  }
0x39: {  	_ = 	snop;
	(pc) =	sbr.ind lr, $3  }
0x3a: {  	_ = 	snop  }
0x3b: {  	_ = 	snop  }
0x3c: {  	p2 =	seq.s32 s10, $0x1;
	s10 =	sld [smem:$0x3FB7]  }
0x3d: {  	_ =	shalt  }
0x3e: {  	_ =	shalt  }
0x3f: {  	_ =	shalt  }
0x40: {  	_ =	shalt  }
0x41: {  	_ =	shalt  }
0x42: {  	_ =	shalt  }
0x43: {  	_ =	shalt  }
0x44: {  	_ =	shalt  }
0x45: {  	_ =	shalt  }
0x46: {  	_ =	shalt  }
0x47: {  	_ =	shalt  }
0x48: {  	_ =	shalt  }
0x49: {  	_ =	shalt  }
0x4a: {  	_ =	shalt  }
0x4b: {  	_ =	shalt  }
0x4c: {  	_ =	shalt  }
0x4d: {  	_ =	shalt  }
0x4e: {  	_ =	shalt  }
0x4f: {  	_ =	shalt  }
0x50: {  	_ =	shalt  }
0x51: {  	_ =	shalt  }
0x52: {  	_ =	shalt  }
0x53: {  	_ =	shalt  }
0x54: {  	_ =	shalt  }
0x55: {  	_ =	shalt  }
0x56: {  	_ =	shalt  }
0x57: {  	_ =	shalt  }
0x58: {  	_ =	shalt  }
0x59: {  	_ =	shalt  }
0x5a: {  	_ =	shalt  }
0x5b: {  	_ =	shalt  }
0x5c: {  	_ =	shalt  }
0x5d: {  	_ =	shalt  }
0x5e: {  	_ =	shalt  }
0x5f: {  	_ =	shalt  }
0x60: {  	_ =	shalt  }
0x61: {  	_ =	shalt  }
0x62: {  	_ =	shalt  }
0x63: {  	_ =	shalt  }
0x64: {  	_ =	shalt  }
0x65: {  	_ =	shalt  }
0x66: {  	_ =	shalt  }
0x67: {  	_ =	shalt  }
0x68: {  	_ =	shalt  }
0x69: {  	_ =	shalt  }
0x6a: {  	_ =	shalt  }
0x6b: {  	_ =	shalt  }
0x6c: {  	_ =	shalt  }
0x6d: {  	_ =	shalt  }
0x6e: {  	_ =	shalt  }
0x6f: {  	_ =	shalt  }
0x70: {  	_ =	shalt  }
0x71: {  	_ =	shalt  }
0x72: {  	_ =	shalt  }
0x73: {  	_ =	shalt  }
0x74: {  	_ =	shalt  }
0x75: {  	_ =	shalt  }
0x76: {  	_ =	shalt  }
0x77: {  	_ =	shalt  }
0x78: {  	_ =	shalt  }
0x79: {  	_ =	shalt  }
0x7a: {  	_ =	shalt  }
0x7b: {  	_ =	shalt  }
0x7c: {  	_ =	shalt  }
0x7d: {  	_ =	shalt  }
0x7e: {  	_ =	shalt  }
0x7f: {  	_ =	shalt  }
0x80: {  	_ =	shalt  }
0x81: {  	_ =	shalt  }
0x82: {  	_ =	shalt  }
0x83: {  	_ =	shalt  }
0x84: {  	_ =	shalt  }
0x85: {  	_ =	shalt  }
0x86: {  	_ =	shalt  }
0x87: {  	_ =	shalt  }
.Lfunc_end0:
.L_simem_size_0:
called_computation_lowered:
.L_overlay_start_0:
0x88: {  	s2 =	sld [smem:$0x3FD9]  }
0x89: {  	s3 =	sld [smem:$0x3FFE];
	_ =	sdelay $0x1  }
0x8a: {  	s1 =	srdreg.scid  }
0x8b: {  	s0 =	sand.u32 $0x1, s1  }
0x8c: {  	s17 =	sshll.u32 s0, $0xA;
	s2 =	sadd.s32 s3, s2  }
0x8d: {  	s2 =	sadd.s32 s2, s17  }
0x8e: {  	[smem:$0x3FC3] =	sst s2  }
0x8f: {  	_ = 	snop  }
0x90: {  	s2 =	sld [smem:$0x3FD0];
	(tm) =	ssettm $0x1  }
0x91: {  	s18 =	sld [smem:$0x3FFB];
	_ =	sdelay $0x3  }
0x92: {  	_ =	strace s18  }
0x93: {  	s3 =	sld [smem:$0x3FFC];
	_ =	sdelay $0x3  }
0x94: {  	_ =	strace s3  }
0x95: {  	s3 =	sld [smem:$0x3FFD];
	_ =	sdelay $0x3  }
0x96: {  	_ =	strace s3  }
0x97: {  	_ =	strace $0x8FFFFFFF  }
0x98: {  	s19 =	sld [smem:$0x3FDB];
	_ =	sdelay $0x1  }
0x99: {  	s4 =	simm.s32 $_scs_section_size  }
0x9a: {  	s5 =	simm.s32 $_size__tile_overlayer_lowered;
	s6 =	simm.s32 $_tile_overlayer_lowered  }
0x9b: {  	s22 =	simm.s32 $0x1BFF;
	s21 =	sshll.u32 s6, $0x1;
	s3 =	sadd.s32 s4, s19  }
0x9c: {  	s7 =	simm.s32 $0x0;
	s20 =	sshll.u32 s5, $0x1;
	s5 =	sadd.s32 s21, s3  }
0x9d: {  	[timem:s7], [sflag:s22] =	dma.local [hbm:s5], s20  }
0x9e: {  	_ =	swait.ge [sflag:s22], s20  }
0x9f: {  	s4 =	ssub.s32 $0x0, s20;
	[sflag:s22] =	ssyncset.done $0x0  }
0xa0: {  	[sflag:s22] =	ssyncadd.s32 s4;
	_ =	sdelay $0x1  }
0xa1: {  	s23 =	simm.s32 $0x1B8B  }
0xa2: {  	_ =	swait.ge [sflag:s23], $0x1  }
0xa3: {  	[sflag:s23] =	ssyncset.done $0x0  }
0xa4: {  	s25 =	simm.s32 $0x1B8E;
	s24 =	sld [smem:$0x3FFE];
	[sflag:s23] =	ssyncadd.s32 $0xFFFFFFFF  }
0xa5: {  	s26 =	simm.s32 $execute0_lowered;
	[smem:$0x3FD2] =	sst s25  }
0xa6: {  	s5 =	sshll.u32 s26, $0x1;
	_ =	strace $0x80000046;
	[dreg:$0x1] =	wrdreg $0xFFFFFFFF  }
0xa7: {  	s28 =	simm.s32 $_size_execute0_lowered;
	s3 =	sadd.s32 s3, s5;
	[dreg:$0x0] =	wrdreg $0x0  }
0xa8: {  	s5 =	sshll.u32 s28, $0x1;
	[dreg:$0x2] =	wrdreg s3  }
0xa9: {  	[dreg:$0x3] =	wrdreg s5  }
0xaa: {  	[dreg:$0x4] =	wrdreg $0xC0  }
0xab: {  	_ =	task [dreg:s7], $0x5FFFF  }
0xac: {  	[dreg:$0x1] =	wrdreg $0xFFFFFFFF  }
0xad: {  	[dreg:$0x0] =	wrdreg $0x60  }
0xae: {  	[dreg:$0x2] =	wrdreg s24  }
0xaf: {  	[dreg:$0x3] =	wrdreg s2  }
0xb0: {  	[dreg:$0x4] =	wrdreg $0x9  }
0xb1: {  	_ =	task.clear_ibuf [dreg:s7], $0x5FFFF;
	_ =	strace $0x90000046  }
0xb2: {  	s29 =	simm.s32 $0x9;
	_ =	strace $0x80000048  }
0xb3: {  	_ =	swait.ge [sflag:s29], $0x1  }
0xb4: {  	[sflag:s29] =	ssyncadd.s32 $0xFFFFFFFF  }
0xb5: {  	_ =	strace $0x90000048  }
0xb6: {  	_ =	sfence  }
0xb7: {  	s30 =	sld [smem:$0x0];
	_ =	sdelay $0x2  }
0xb8: {  	s31 =	sshll.u32 s1, $0xD;
	s1 =	sshrl.u32 s1, $0x2  }
0xb9: {  	s3 =	sand.u32 $0x4000, s31;
	s1 =	sadd.s32 s1, s30  }
0xba: {  	s0 =	sor.u32 s3, s0;
	s1 =	sshll.u32 s1, $0x11  }
0xbb: {  	s0 =	sor.u32 s1, s0  }
0xbc: {  	s0 =	sadd.s32 $0x8F2B, s0  }
0xbd: {  	[sflag:s0] =	ssyncadd.remote.s32 $0x1  }
0xbe: {  	_ =	sfence.sel $0xFFFF  }
0xbf: {  	[dreg:$0x0] =	wrdreg $0xFFFFFFFF;
	(pc) =	sbr.abs _section_cstart, $3  }
0xc0: {  	[dreg:$0x1] =	wrdreg $0xFFFFFFFF  }
0xc1: {  	_ =	task.clear_ibuf [dreg:s7], $0x2FFFF;
	_ =	strace $0x9FFFFFFF  }
0xc2: {  	(tm) =	ssettm $0x7FFFFFFF  }
0xc3: {  	_ =	shalt  }
tec
execute0_lowered:
.L_overlay_start_1:
0x0: {  	(tag) =	ssettag $0x1  }
0x1: {  	s0 =	srdreg.scid  }
0x2: {  	s2 =	stileid.u32;
	s1 =	sand.u32 $0x1, s0  }
0x3: {  	s5 =	sshll.u32 s2, $0xD;
	s6 =	sshll.u32 s1, $0xC  }
0x4: {  	s3 =	rddreg [dreg:$0x0];
	s0 =	sor.u32 s6, s5  }
0x5: {  	s4 =	rddreg [dreg:$0x1];
	s5 =	sshrl.u32 s0, $0x3  }
0x6: {  	s2 =	simm.s32 $0x0;
	s0 =	sshll.u32 s0, $0x4;
	s5 =	sadd.s32 s5, s3  }
0x7: {  	[smem:$0x7FF] =	sst s2;
	s30 =	sadd.s32 s4, s0;
	s5 =	sadd.s32 $0x600, s5  }
0x8: {  	_ =	strace $0x80000047;
	s0 =	sadd.s32 $0x800, s30;
	[dreg:$0x3] =	wrdreg s5  }
0x9: {  	s7 =	sadd.s32 $0x1000, s30;
	[dreg:$0x4] =	wrdreg s0  }
0xa: {  	s8 =	sadd.s32 $0x1800, s30;
	[dreg:$0x5] =	wrdreg s7  }
0xb: {  	s9 =	sadd.s32 $0x2000, s30;
	[dreg:$0x6] =	wrdreg s8  }
0xc: {  	s10 =	sadd.s32 $0x2800, s30;
	[dreg:$0x7] =	wrdreg s9  }
0xd: {  	s11 =	sadd.s32 $0x3000, s30;
	[dreg:$0x8] =	wrdreg s10  }
0xe: {  	s12 =	sadd.s32 $0x3800, s30;
	[dreg:$0x9] =	wrdreg s11  }
0xf: {  	s13 =	sadd.s32 $0x4000, s30;
	[dreg:$0xa] =	wrdreg s12  }
0x10: {  	s14 =	sadd.s32 $0x4800, s30;
	[dreg:$0xb] =	wrdreg s13  }
0x11: {  	s15 =	sadd.s32 $0x5000, s30;
	[dreg:$0xc] =	wrdreg s14  }
0x12: {  	s16 =	sadd.s32 $0x5800, s30;
	[dreg:$0xd] =	wrdreg s15  }
0x13: {  	s17 =	sadd.s32 $0x6000, s30;
	[dreg:$0xe] =	wrdreg s16  }
0x14: {  	s18 =	sadd.s32 $0x6800, s30;
	[dreg:$0xf] =	wrdreg s17  }
0x15: {  	s19 =	sadd.s32 $0x7000, s30;
	[dreg:$0x10] =	wrdreg s18  }
0x16: {  	s20 =	sadd.s32 $0x7800, s30;
	[dreg:$0x11] =	wrdreg s19  }
0x17: {  	s21 =	sadd.s32 $0x8000, s30;
	[dreg:$0x12] =	wrdreg s20  }
0x18: {  	s22 =	sadd.s32 $0x8800, s30;
	[dreg:$0x13] =	wrdreg s21  }
0x19: {  	s23 =	sadd.s32 $0x9000, s30;
	[dreg:$0x14] =	wrdreg s22  }
0x1a: {  	s24 =	sadd.s32 $0x9800, s30;
	[dreg:$0x15] =	wrdreg s23  }
0x1b: {  	s25 =	sadd.s32 $0xA000, s30;
	[dreg:$0x16] =	wrdreg s24  }
0x1c: {  	s26 =	sadd.s32 $0xA800, s30;
	[dreg:$0x17] =	wrdreg s25  }
0x1d: {  	s4 =	sadd.s32 $0xB000, s30;
	[dreg:$0x18] =	wrdreg s26  }
0x1e: {  	s6 =	sadd.s32 $0xC000, s30;
	[dreg:$0x19] =	wrdreg s4  }
0x1f: {  	s5 =	sadd.s32 $0xB800, s30;
	[dreg:$0x1b] =	wrdreg s6  }
0x20: {  	s7 =	sadd.s32 $0xC800, s30;
	[dreg:$0x1a] =	wrdreg s5  }
0x21: {  	s8 =	sadd.s32 $0xD000, s30;
	[dreg:$0x1c] =	wrdreg s7  }
0x22: {  	s9 =	sadd.s32 $0xD800, s30;
	[dreg:$0x1d] =	wrdreg s8  }
0x23: {  	s10 =	sadd.s32 $0xE000, s30;
	[dreg:$0x1e] =	wrdreg s9  }
0x24: {  	s11 =	sadd.s32 $0xE800, s30;
	[dreg:$0x1f] =	wrdreg s10  }
0x25: {  	s12 =	sadd.s32 $0xF000, s30;
	[smem:$0x7EF] =	sst s11  }
0x26: {  	s31 =	simm.s32 $0x5;
	s13 =	sadd.s32 $0xF800, s30;
	[smem:$0x7F0] =	sst s12  }
0x27: {  	s29 =	simm.s32 $0x700;
	s14 =	simm.s32 $0x100;
	[smem:$0x7F1] =	sst s13  }
0x28: {  	s28 =	simm.s32 $0x780;
	s15 =	simm.s32 $0x180;
	[smem:$0x7F2] =	sst s14  }
0x29: {  	p0 =	por $0x0, $0x0;
	s17 =	simm.s32 $0x200;
	[smem:$0x7F3] =	sst s15  }
0x2a: {  	s1 =	ssub.s32 $0x2, s1;
	s18 =	simm.s32 $0x280;
	[smem:$0x7F4] =	sst s17  }
0x2b: {  	s3 =	sadd.s32 $0x4600, s3;
	s19 =	simm.s32 $0x300;
	[smem:$0x7F5] =	sst s18  }
0x2c: {  	s16 =	sshrl.u32 s1, $0x1;
	s20 =	simm.s32 $0x380;
	[smem:$0x7F6] =	sst s19  }
0x2d: {  	s4 =	simm.s32 $0x80;
	s21 =	simm.s32 $0x400;
	[smem:$0x7F7] =	sst s20  }
0x2e: {  	s6 =	simm.s32 $0x1000;
	s22 =	simm.s32 $0x480;
	[smem:$0x7F8] =	sst s21  }
0x2f: {  	s23 =	simm.s32 $0x500;
	s24 =	simm.s32 $0x580;
	[smem:$0x7F9] =	sst s22  }
0x30: {  	s25 =	simm.s32 $0x600;
	s26 =	simm.s32 $0x680;
	[smem:$0x7FA] =	sst s23  }
0x31: {  	s1 =	ssub.s32 s1, s16;
	s10 =	simm.s32 $0x1;
	[smem:$0x7FB] =	sst s24  }
0x32: {  	s5 =	simm.s32 $0x5000;
	s9 =	simm.s32 $0x2;
	[smem:$0x7FC] =	sst s25  }
0x33: {  	s7 =	simm.s32 $0x3;
	s8 =	simm.s32 $0x4;
	[smem:$0x7FD] =	sst s26  }
0x34: {  	s26 =	simm.s32 $0x800;
	s25 =	simm.s32 $0x880;
	s1 =	smax.u32 s1, $0x1  }
0x35: {  	s24 =	simm.s32 $0x900;
	s23 =	simm.s32 $0x980;
	p1 =	sne.s32 s1, $0x1  }
.Ltmp0:
0x36: {  	s22 =	simm.s32 $0xA00;
	s21 =	simm.s32 $0xA80;
	(pc) =	sbr.rel @!p1 .LBB2_3-.Ltmp0, $4  }
0x37: {  	s20 =	simm.s32 $0xB00;
	s19 =	simm.s32 $0xB80;
	s18 =	simm.s32 $0xC00  }
0x38: {  	s17 =	simm.s32 $0xC80;
	s16 =	simm.s32 $0xD00;
	s15 =	simm.s32 $0xD80  }
0x39: {  	s14 =	simm.s32 $0xE00;
	s13 =	simm.s32 $0xE80;
	s12 =	simm.s32 $0xF00  }
0x3a: {  	s11 =	simm.s32 $0xF80;
	s0 =	rddreg [dreg:$0x3];
	s1 =	sadd.s32 $0xFFFFFFFF, s1  }
0x3b: {  	[tilespmem:s2], [sflag:$0x5] =	stream.linear.gather [hbm4b:s0+s2], $0x1000, $0x38;
	[tilespmem:$0x9000] =	vst v63  }
0x3c: {  	_ =	swait.ge [sflag:s31], $0x1000  }
0x3d: {  	[sflag:s31] =	ssyncset.done $0x0  }
0x3e: {  	[sflag:s31] =	ssyncadd.s32 $0xFFFFF000  }
0x3f: {  	[tilespmem:s6], [sflag:$0x1] =	stream.indirect.gather [hbm4b:s3+s4], $0x80, s2, s4, $0xb8;
	[tilespmem:$0x9000] =	vst v63  }
0x40: {  	_ =	swait.ge [sflag:s10], $0x4000  }
0x41: {  	[sflag:s10] =	ssyncset.done $0x0  }
0x42: {  	[sflag:s10] =	ssyncadd.s32 $0xFFFFC000  }
0x43: {  	[hbm4b:s30+s2] =	stream.linear.scatter [tilespmem:s6], [sflag:$0x3], $0x4000, $0x38;
	[tilespmem:$0x9000] =	vst v63  }
0x44: {  	_ = 	snop  }
0x45: {  	[tilespmem:s5], [sflag:$0x2] =	stream.indirect.gather [hbm4b:s3+s4], $0x80, s4, s4, $0xb8;
	[tilespmem:$0x9000] =	vst v63  }
0x46: {  	_ =	swait.ge [sflag:s9], $0x4000  }
0x47: {  	[sflag:s9] =	ssyncset.done $0x0  }
0x48: {  	s0 =	rddreg [dreg:$0x4];
	[sflag:s9] =	ssyncadd.s32 $0xFFFFC000  }
0x49: {  	[hbm4b:s0+s2] =	stream.linear.scatter [tilespmem:s5], [sflag:$0x4], $0x4000, $0x38;
	[tilespmem:$0x9000] =	vst v63  }
0x4a: {  	_ =	swait.ge [sflag:s7], $0x4000  }
0x4b: {  	s0 =	sld [smem:$0x7F2]  }
0x4c: {  	[sflag:s7] =	ssyncset.done $0x0  }
0x4d: {  	[sflag:s7] =	ssyncadd.s32 $0xFFFFC000  }
0x4e: {  	[tilespmem:s6], [sflag:$0x1] =	stream.indirect.gather [hbm4b:s3+s4], $0x80, s0, s4, $0xb8;
	[tilespmem:$0x9000] =	vst v63  }
0x4f: {  	_ =	swait.ge [sflag:s10], $0x4000  }
0x50: {  	[sflag:s10] =	ssyncset.done $0x0  }
0x51: {  	s0 =	rddreg [dreg:$0x5];
	[sflag:s10] =	ssyncadd.s32 $0xFFFFC000  }
0x52: {  	[hbm4b:s0+s2] =	stream.linear.scatter [tilespmem:s6], [sflag:$0x3], $0x4000, $0x38;
	[tilespmem:$0x9000] =	vst v63  }
0x53: {  	_ =	swait.ge [sflag:s8], $0x4000  }
0x54: {  	s0 =	sld [smem:$0x7F3]  }
0x55: {  	[sflag:s8] =	ssyncset.done $0x0  }
0x56: {  	[sflag:s8] =	ssyncadd.s32 $0xFFFFC000  }
0x57: {  	[tilespmem:s5], [sflag:$0x2] =	stream.indirect.gather [hbm4b:s3+s4], $0x80, s0, s4, $0xb8;
	[tilespmem:$0x9000] =	vst v63  }
0x58: {  	_ =	swait.ge [sflag:s9], $0x4000  }
0x59: {  	[sflag:s9] =	ssyncset.done $0x0  }
0x5a: {  	s0 =	rddreg [dreg:$0x6];
	[sflag:s9] =	ssyncadd.s32 $0xFFFFC000  }
0x5b: {  	[hbm4b:s0+s2] =	stream.linear.scatter [tilespmem:s5], [sflag:$0x4], $0x4000, $0x38;
	[tilespmem:$0x9000] =	vst v63  }
0x5c: {  	_ =	swait.ge [sflag:s7], $0x4000  }
0x5d: {  	s0 =	sld [smem:$0x7F4]  }
0x5e: {  	[sflag:s7] =	ssyncset.done $0x0  }
0x5f: {  	[sflag:s7] =	ssyncadd.s32 $0xFFFFC000  }
0x60: {  	[tilespmem:s6], [sflag:$0x1] =	stream.indirect.gather [hbm4b:s3+s4], $0x80, s0, s4, $0xb8;
	[tilespmem:$0x9000] =	vst v63  }
0x61: {  	_ =	swait.ge [sflag:s10], $0x4000  }
0x62: {  	[sflag:s10] =	ssyncset.done $0x0  }
0x63: {  	s0 =	rddreg [dreg:$0x7];
	[sflag:s10] =	ssyncadd.s32 $0xFFFFC000  }
0x64: {  	[hbm4b:s0+s2] =	stream.linear.scatter [tilespmem:s6], [sflag:$0x3], $0x4000, $0x38;
	[tilespmem:$0x9000] =	vst v63  }
0x65: {  	_ =	swait.ge [sflag:s8], $0x4000  }
0x66: {  	s0 =	sld [smem:$0x7F5]  }
0x67: {  	[sflag:s8] =	ssyncset.done $0x0  }
0x68: {  	[sflag:s8] =	ssyncadd.s32 $0xFFFFC000  }
0x69: {  	[tilespmem:s5], [sflag:$0x2] =	stream.indirect.gather [hbm4b:s3+s4], $0x80, s0, s4, $0xb8;
	[tilespmem:$0x9000] =	vst v63  }
0x6a: {  	_ =	swait.ge [sflag:s9], $0x4000  }
0x6b: {  	[sflag:s9] =	ssyncset.done $0x0  }
0x6c: {  	s0 =	rddreg [dreg:$0x8];
	[sflag:s9] =	ssyncadd.s32 $0xFFFFC000  }
0x6d: {  	[hbm4b:s0+s2] =	stream.linear.scatter [tilespmem:s5], [sflag:$0x4], $0x4000, $0x38;
	[tilespmem:$0x9000] =	vst v63  }
0x6e: {  	_ =	swait.ge [sflag:s7], $0x4000  }
0x6f: {  	s0 =	sld [smem:$0x7F6]  }
0x70: {  	[sflag:s7] =	ssyncset.done $0x0  }
0x71: {  	[sflag:s7] =	ssyncadd.s32 $0xFFFFC000  }
0x72: {  	[tilespmem:s6], [sflag:$0x1] =	stream.indirect.gather [hbm4b:s3+s4], $0x80, s0, s4, $0xb8;
	[tilespmem:$0x9000] =	vst v63  }
0x73: {  	_ =	swait.ge [sflag:s10], $0x4000  }
0x74: {  	[sflag:s10] =	ssyncset.done $0x0  }
0x75: {  	s0 =	rddreg [dreg:$0x9];
	[sflag:s10] =	ssyncadd.s32 $0xFFFFC000  }
0x76: {  	[hbm4b:s0+s2] =	stream.linear.scatter [tilespmem:s6], [sflag:$0x3], $0x4000, $0x38;
	[tilespmem:$0x9000] =	vst v63  }
0x77: {  	_ =	swait.ge [sflag:s8], $0x4000  }
0x78: {  	s0 =	sld [smem:$0x7F7]  }
0x79: {  	[sflag:s8] =	ssyncset.done $0x0  }
0x7a: {  	[sflag:s8] =	ssyncadd.s32 $0xFFFFC000  }
0x7b: {  	[tilespmem:s5], [sflag:$0x2] =	stream.indirect.gather [hbm4b:s3+s4], $0x80, s0, s4, $0xb8;
	[tilespmem:$0x9000] =	vst v63  }
0x7c: {  	_ =	swait.ge [sflag:s9], $0x4000  }
0x7d: {  	[sflag:s9] =	ssyncset.done $0x0  }
0x7e: {  	s0 =	rddreg [dreg:$0xa];
	[sflag:s9] =	ssyncadd.s32 $0xFFFFC000  }
0x7f: {  	[hbm4b:s0+s2] =	stream.linear.scatter [tilespmem:s5], [sflag:$0x4], $0x4000, $0x38;
	[tilespmem:$0x9000] =	vst v63  }
0x80: {  	_ =	swait.ge [sflag:s7], $0x4000  }
0x81: {  	s0 =	sld [smem:$0x7F8]  }
0x82: {  	[sflag:s7] =	ssyncset.done $0x0  }
0x83: {  	[sflag:s7] =	ssyncadd.s32 $0xFFFFC000  }
0x84: {  	[tilespmem:s6], [sflag:$0x1] =	stream.indirect.gather [hbm4b:s3+s4], $0x80, s0, s4, $0xb8;
	[tilespmem:$0x9000] =	vst v63  }
0x85: {  	_ =	swait.ge [sflag:s10], $0x4000  }
0x86: {  	[sflag:s10] =	ssyncset.done $0x0  }
0x87: {  	s0 =	rddreg [dreg:$0xb];
	[sflag:s10] =	ssyncadd.s32 $0xFFFFC000  }
0x88: {  	[hbm4b:s0+s2] =	stream.linear.scatter [tilespmem:s6], [sflag:$0x3], $0x4000, $0x38;
	[tilespmem:$0x9000] =	vst v63  }
0x89: {  	_ =	swait.ge [sflag:s8], $0x4000  }
0x8a: {  	s0 =	sld [smem:$0x7F9]  }
0x8b: {  	[sflag:s8] =	ssyncset.done $0x0  }
0x8c: {  	[sflag:s8] =	ssyncadd.s32 $0xFFFFC000  }
0x8d: {  	[tilespmem:s5], [sflag:$0x2] =	stream.indirect.gather [hbm4b:s3+s4], $0x80, s0, s4, $0xb8;
	[tilespmem:$0x9000] =	vst v63  }
0x8e: {  	_ =	swait.ge [sflag:s9], $0x4000  }
0x8f: {  	[sflag:s9] =	ssyncset.done $0x0  }
0x90: {  	s0 =	rddreg [dreg:$0xc];
	[sflag:s9] =	ssyncadd.s32 $0xFFFFC000  }
0x91: {  	[hbm4b:s0+s2] =	stream.linear.scatter [tilespmem:s5], [sflag:$0x4], $0x4000, $0x38;
	[tilespmem:$0x9000] =	vst v63  }
0x92: {  	_ =	swait.ge [sflag:s7], $0x4000  }
0x93: {  	s0 =	sld [smem:$0x7FA]  }
0x94: {  	[sflag:s7] =	ssyncset.done $0x0  }
0x95: {  	[sflag:s7] =	ssyncadd.s32 $0xFFFFC000  }
0x96: {  	[tilespmem:s6], [sflag:$0x1] =	stream.indirect.gather [hbm4b:s3+s4], $0x80, s0, s4, $0xb8;
	[tilespmem:$0x9000] =	vst v63  }
0x97: {  	_ =	swait.ge [sflag:s10], $0x4000  }
0x98: {  	[sflag:s10] =	ssyncset.done $0x0  }
0x99: {  	s0 =	rddreg [dreg:$0xd];
	[sflag:s10] =	ssyncadd.s32 $0xFFFFC000  }
0x9a: {  	[hbm4b:s0+s2] =	stream.linear.scatter [tilespmem:s6], [sflag:$0x3], $0x4000, $0x38;
	[tilespmem:$0x9000] =	vst v63  }
0x9b: {  	_ =	swait.ge [sflag:s8], $0x4000  }
0x9c: {  	s0 =	sld [smem:$0x7FB]  }
0x9d: {  	[sflag:s8] =	ssyncset.done $0x0  }
0x9e: {  	[sflag:s8] =	ssyncadd.s32 $0xFFFFC000  }
0x9f: {  	[tilespmem:s5], [sflag:$0x2] =	stream.indirect.gather [hbm4b:s3+s4], $0x80, s0, s4, $0xb8;
	[tilespmem:$0x9000] =	vst v63  }
0xa0: {  	_ =	swait.ge [sflag:s9], $0x4000  }
0xa1: {  	[sflag:s9] =	ssyncset.done $0x0  }
0xa2: {  	s0 =	rddreg [dreg:$0xe];
	[sflag:s9] =	ssyncadd.s32 $0xFFFFC000  }
0xa3: {  	[hbm4b:s0+s2] =	stream.linear.scatter [tilespmem:s5], [sflag:$0x4], $0x4000, $0x38;
	[tilespmem:$0x9000] =	vst v63  }
0xa4: {  	_ =	swait.ge [sflag:s7], $0x4000  }
0xa5: {  	s0 =	sld [smem:$0x7FC]  }
0xa6: {  	[sflag:s7] =	ssyncset.done $0x0  }
0xa7: {  	[sflag:s7] =	ssyncadd.s32 $0xFFFFC000  }
0xa8: {  	[tilespmem:s6], [sflag:$0x1] =	stream.indirect.gather [hbm4b:s3+s4], $0x80, s0, s4, $0xb8;
	[tilespmem:$0x9000] =	vst v63  }
0xa9: {  	_ =	swait.ge [sflag:s10], $0x4000  }
0xaa: {  	[sflag:s10] =	ssyncset.done $0x0  }
0xab: {  	s0 =	rddreg [dreg:$0xf];
	[sflag:s10] =	ssyncadd.s32 $0xFFFFC000  }
0xac: {  	[hbm4b:s0+s2] =	stream.linear.scatter [tilespmem:s6], [sflag:$0x3], $0x4000, $0x38;
	[tilespmem:$0x9000] =	vst v63  }
0xad: {  	_ =	swait.ge [sflag:s8], $0x4000  }
0xae: {  	s0 =	sld [smem:$0x7FD]  }
0xaf: {  	[sflag:s8] =	ssyncset.done $0x0  }
0xb0: {  	[sflag:s8] =	ssyncadd.s32 $0xFFFFC000  }
0xb1: {  	[tilespmem:s5], [sflag:$0x2] =	stream.indirect.gather [hbm4b:s3+s4], $0x80, s0, s4, $0xb8;
	[tilespmem:$0x9000] =	vst v63  }
0xb2: {  	_ =	swait.ge [sflag:s9], $0x4000  }
0xb3: {  	[sflag:s9] =	ssyncset.done $0x0  }
0xb4: {  	s0 =	rddreg [dreg:$0x10];
	[sflag:s9] =	ssyncadd.s32 $0xFFFFC000  }
0xb5: {  	[hbm4b:s0+s2] =	stream.linear.scatter [tilespmem:s5], [sflag:$0x4], $0x4000, $0x38;
	[tilespmem:$0x9000] =	vst v63  }
0xb6: {  	_ =	swait.ge [sflag:s7], $0x4000  }
0xb7: {  	[sflag:s7] =	ssyncset.done $0x0  }
0xb8: {  	[sflag:s7] =	ssyncadd.s32 $0xFFFFC000  }
0xb9: {  	[tilespmem:s6], [sflag:$0x1] =	stream.indirect.gather [hbm4b:s3+s4], $0x80, s29, s4, $0xb8;
	[tilespmem:$0x9000] =	vst v63  }
0xba: {  	_ =	swait.ge [sflag:s10], $0x4000  }
0xbb: {  	[sflag:s10] =	ssyncset.done $0x0  }
0xbc: {  	s0 =	rddreg [dreg:$0x11];
	[sflag:s10] =	ssyncadd.s32 $0xFFFFC000  }
0xbd: {  	[hbm4b:s0+s2] =	stream.linear.scatter [tilespmem:s6], [sflag:$0x3], $0x4000, $0x38;
	[tilespmem:$0x9000] =	vst v63  }
0xbe: {  	_ =	swait.ge [sflag:s8], $0x4000  }
0xbf: {  	[sflag:s8] =	ssyncset.done $0x0  }
0xc0: {  	[sflag:s8] =	ssyncadd.s32 $0xFFFFC000  }
0xc1: {  	[tilespmem:s5], [sflag:$0x2] =	stream.indirect.gather [hbm4b:s3+s4], $0x80, s28, s4, $0xb8;
	[tilespmem:$0x9000] =	vst v63  }
0xc2: {  	_ =	swait.ge [sflag:s9], $0x4000  }
0xc3: {  	[sflag:s9] =	ssyncset.done $0x0  }
0xc4: {  	s0 =	rddreg [dreg:$0x12];
	[sflag:s9] =	ssyncadd.s32 $0xFFFFC000  }
0xc5: {  	[hbm4b:s0+s2] =	stream.linear.scatter [tilespmem:s5], [sflag:$0x4], $0x4000, $0x38;
	[tilespmem:$0x9000] =	vst v63  }
0xc6: {  	_ =	swait.ge [sflag:s7], $0x4000  }
0xc7: {  	[sflag:s7] =	ssyncset.done $0x0  }
0xc8: {  	[sflag:s7] =	ssyncadd.s32 $0xFFFFC000  }
0xc9: {  	[tilespmem:s6], [sflag:$0x1] =	stream.indirect.gather [hbm4b:s3+s4], $0x80, s26, s4, $0xb8;
	[tilespmem:$0x9000] =	vst v63  }
0xca: {  	_ =	swait.ge [sflag:s10], $0x4000  }
0xcb: {  	[sflag:s10] =	ssyncset.done $0x0  }
0xcc: {  	s0 =	rddreg [dreg:$0x13];
	[sflag:s10] =	ssyncadd.s32 $0xFFFFC000  }
0xcd: {  	[hbm4b:s0+s2] =	stream.linear.scatter [tilespmem:s6], [sflag:$0x3], $0x4000, $0x38;
	[tilespmem:$0x9000] =	vst v63  }
0xce: {  	_ =	swait.ge [sflag:s8], $0x4000  }
0xcf: {  	[sflag:s8] =	ssyncset.done $0x0  }
0xd0: {  	[sflag:s8] =	ssyncadd.s32 $0xFFFFC000  }
0xd1: {  	[tilespmem:s5], [sflag:$0x2] =	stream.indirect.gather [hbm4b:s3+s4], $0x80, s25, s4, $0xb8;
	[tilespmem:$0x9000] =	vst v63  }
0xd2: {  	_ =	swait.ge [sflag:s9], $0x4000  }
0xd3: {  	[sflag:s9] =	ssyncset.done $0x0  }
0xd4: {  	s0 =	rddreg [dreg:$0x14];
	[sflag:s9] =	ssyncadd.s32 $0xFFFFC000  }
0xd5: {  	[hbm4b:s0+s2] =	stream.linear.scatter [tilespmem:s5], [sflag:$0x4], $0x4000, $0x38;
	[tilespmem:$0x9000] =	vst v63  }
0xd6: {  	_ =	swait.ge [sflag:s7], $0x4000  }
0xd7: {  	[sflag:s7] =	ssyncset.done $0x0  }
0xd8: {  	[sflag:s7] =	ssyncadd.s32 $0xFFFFC000  }
0xd9: {  	[tilespmem:s6], [sflag:$0x1] =	stream.indirect.gather [hbm4b:s3+s4], $0x80, s24, s4, $0xb8;
	[tilespmem:$0x9000] =	vst v63  }
0xda: {  	_ =	swait.ge [sflag:s10], $0x4000  }
0xdb: {  	[sflag:s10] =	ssyncset.done $0x0  }
0xdc: {  	s0 =	rddreg [dreg:$0x15];
	[sflag:s10] =	ssyncadd.s32 $0xFFFFC000  }
0xdd: {  	[hbm4b:s0+s2] =	stream.linear.scatter [tilespmem:s6], [sflag:$0x3], $0x4000, $0x38;
	[tilespmem:$0x9000] =	vst v63  }
0xde: {  	_ =	swait.ge [sflag:s8], $0x4000  }
0xdf: {  	[sflag:s8] =	ssyncset.done $0x0  }
0xe0: {  	[sflag:s8] =	ssyncadd.s32 $0xFFFFC000  }
0xe1: {  	[tilespmem:s5], [sflag:$0x2] =	stream.indirect.gather [hbm4b:s3+s4], $0x80, s23, s4, $0xb8;
	[tilespmem:$0x9000] =	vst v63  }
0xe2: {  	_ =	swait.ge [sflag:s9], $0x4000  }
0xe3: {  	[sflag:s9] =	ssyncset.done $0x0  }
0xe4: {  	s0 =	rddreg [dreg:$0x16];
	[sflag:s9] =	ssyncadd.s32 $0xFFFFC000  }
0xe5: {  	[hbm4b:s0+s2] =	stream.linear.scatter [tilespmem:s5], [sflag:$0x4], $0x4000, $0x38;
	[tilespmem:$0x9000] =	vst v63  }
0xe6: {  	_ =	swait.ge [sflag:s7], $0x4000  }
0xe7: {  	[sflag:s7] =	ssyncset.done $0x0  }
0xe8: {  	[sflag:s7] =	ssyncadd.s32 $0xFFFFC000  }
0xe9: {  	[tilespmem:s6], [sflag:$0x1] =	stream.indirect.gather [hbm4b:s3+s4], $0x80, s22, s4, $0xb8;
	[tilespmem:$0x9000] =	vst v63  }
0xea: {  	_ =	swait.ge [sflag:s10], $0x4000  }
0xeb: {  	[sflag:s10] =	ssyncset.done $0x0  }
0xec: {  	s0 =	rddreg [dreg:$0x17];
	[sflag:s10] =	ssyncadd.s32 $0xFFFFC000  }
0xed: {  	[hbm4b:s0+s2] =	stream.linear.scatter [tilespmem:s6], [sflag:$0x3], $0x4000, $0x38;
	[tilespmem:$0x9000] =	vst v63  }
0xee: {  	_ =	swait.ge [sflag:s8], $0x4000  }
0xef: {  	[sflag:s8] =	ssyncset.done $0x0  }
0xf0: {  	[sflag:s8] =	ssyncadd.s32 $0xFFFFC000  }
0xf1: {  	[tilespmem:s5], [sflag:$0x2] =	stream.indirect.gather [hbm4b:s3+s4], $0x80, s21, s4, $0xb8;
	[tilespmem:$0x9000] =	vst v63  }
0xf2: {  	_ =	swait.ge [sflag:s9], $0x4000  }
0xf3: {  	[sflag:s9] =	ssyncset.done $0x0  }
0xf4: {  	s0 =	rddreg [dreg:$0x18];
	[sflag:s9] =	ssyncadd.s32 $0xFFFFC000  }
0xf5: {  	[hbm4b:s0+s2] =	stream.linear.scatter [tilespmem:s5], [sflag:$0x4], $0x4000, $0x38;
	[tilespmem:$0x9000] =	vst v63  }
0xf6: {  	_ =	swait.ge [sflag:s7], $0x4000  }
0xf7: {  	[sflag:s7] =	ssyncset.done $0x0  }
0xf8: {  	[sflag:s7] =	ssyncadd.s32 $0xFFFFC000  }
0xf9: {  	[tilespmem:s6], [sflag:$0x1] =	stream.indirect.gather [hbm4b:s3+s4], $0x80, s20, s4, $0xb8;
	[tilespmem:$0x9000] =	vst v63  }
0xfa: {  	_ =	swait.ge [sflag:s10], $0x4000  }
0xfb: {  	[sflag:s10] =	ssyncset.done $0x0  }
0xfc: {  	s0 =	rddreg [dreg:$0x19];
	[sflag:s10] =	ssyncadd.s32 $0xFFFFC000  }
0xfd: {  	[hbm4b:s0+s2] =	stream.linear.scatter [tilespmem:s6], [sflag:$0x3], $0x4000, $0x38;
	[tilespmem:$0x9000] =	vst v63  }
0xfe: {  	_ =	swait.ge [sflag:s8], $0x4000  }
0xff: {  	[sflag:s8] =	ssyncset.done $0x0  }
0x100: {  	[sflag:s8] =	ssyncadd.s32 $0xFFFFC000  }
0x101: {  	[tilespmem:s5], [sflag:$0x2] =	stream.indirect.gather [hbm4b:s3+s4], $0x80, s19, s4, $0xb8;
	[tilespmem:$0x9000] =	vst v63  }
0x102: {  	_ =	swait.ge [sflag:s9], $0x4000  }
0x103: {  	[sflag:s9] =	ssyncset.done $0x0  }
0x104: {  	s0 =	rddreg [dreg:$0x1a];
	[sflag:s9] =	ssyncadd.s32 $0xFFFFC000  }
0x105: {  	[hbm4b:s0+s2] =	stream.linear.scatter [tilespmem:s5], [sflag:$0x4], $0x4000, $0x38;
	[tilespmem:$0x9000] =	vst v63  }
0x106: {  	_ =	swait.ge [sflag:s7], $0x4000  }
0x107: {  	[sflag:s7] =	ssyncset.done $0x0  }
0x108: {  	[sflag:s7] =	ssyncadd.s32 $0xFFFFC000  }
0x109: {  	[tilespmem:s6], [sflag:$0x1] =	stream.indirect.gather [hbm4b:s3+s4], $0x80, s18, s4, $0xb8;
	[tilespmem:$0x9000] =	vst v63  }
0x10a: {  	_ =	swait.ge [sflag:s10], $0x4000  }
0x10b: {  	[sflag:s10] =	ssyncset.done $0x0  }
0x10c: {  	s0 =	rddreg [dreg:$0x1b];
	[sflag:s10] =	ssyncadd.s32 $0xFFFFC000  }
0x10d: {  	[hbm4b:s0+s2] =	stream.linear.scatter [tilespmem:s6], [sflag:$0x3], $0x4000, $0x38;
	[tilespmem:$0x9000] =	vst v63  }
0x10e: {  	_ =	swait.ge [sflag:s8], $0x4000  }
0x10f: {  	[sflag:s8] =	ssyncset.done $0x0  }
0x110: {  	[sflag:s8] =	ssyncadd.s32 $0xFFFFC000  }
0x111: {  	[tilespmem:s5], [sflag:$0x2] =	stream.indirect.gather [hbm4b:s3+s4], $0x80, s17, s4, $0xb8;
	[tilespmem:$0x9000] =	vst v63  }
0x112: {  	_ =	swait.ge [sflag:s9], $0x4000  }
0x113: {  	[sflag:s9] =	ssyncset.done $0x0  }
0x114: {  	s0 =	rddreg [dreg:$0x1c];
	[sflag:s9] =	ssyncadd.s32 $0xFFFFC000  }
0x115: {  	[hbm4b:s0+s2] =	stream.linear.scatter [tilespmem:s5], [sflag:$0x4], $0x4000, $0x38;
	[tilespmem:$0x9000] =	vst v63  }
0x116: {  	_ =	swait.ge [sflag:s7], $0x4000  }
0x117: {  	[sflag:s7] =	ssyncset.done $0x0  }
0x118: {  	[sflag:s7] =	ssyncadd.s32 $0xFFFFC000  }
0x119: {  	[tilespmem:s6], [sflag:$0x1] =	stream.indirect.gather [hbm4b:s3+s4], $0x80, s16, s4, $0xb8;
	[tilespmem:$0x9000] =	vst v63  }
0x11a: {  	_ =	swait.ge [sflag:s10], $0x4000  }
0x11b: {  	[sflag:s10] =	ssyncset.done $0x0  }
0x11c: {  	s0 =	rddreg [dreg:$0x1d];
	[sflag:s10] =	ssyncadd.s32 $0xFFFFC000  }
0x11d: {  	[hbm4b:s0+s2] =	stream.linear.scatter [tilespmem:s6], [sflag:$0x3], $0x4000, $0x38;
	[tilespmem:$0x9000] =	vst v63  }
0x11e: {  	_ =	swait.ge [sflag:s8], $0x4000  }
0x11f: {  	[sflag:s8] =	ssyncset.done $0x0  }
0x120: {  	[sflag:s8] =	ssyncadd.s32 $0xFFFFC000  }
0x121: {  	[tilespmem:s5], [sflag:$0x2] =	stream.indirect.gather [hbm4b:s3+s4], $0x80, s15, s4, $0xb8;
	[tilespmem:$0x9000] =	vst v63  }
0x122: {  	_ =	swait.ge [sflag:s9], $0x4000  }
0x123: {  	[sflag:s9] =	ssyncset.done $0x0  }
0x124: {  	s0 =	rddreg [dreg:$0x1e];
	[sflag:s9] =	ssyncadd.s32 $0xFFFFC000  }
0x125: {  	[hbm4b:s0+s2] =	stream.linear.scatter [tilespmem:s5], [sflag:$0x4], $0x4000, $0x38;
	[tilespmem:$0x9000] =	vst v63  }
0x126: {  	_ =	swait.ge [sflag:s7], $0x4000  }
0x127: {  	[sflag:s7] =	ssyncset.done $0x0  }
0x128: {  	[sflag:s7] =	ssyncadd.s32 $0xFFFFC000  }
0x129: {  	[tilespmem:s6], [sflag:$0x1] =	stream.indirect.gather [hbm4b:s3+s4], $0x80, s14, s4, $0xb8;
	[tilespmem:$0x9000] =	vst v63  }
0x12a: {  	_ =	swait.ge [sflag:s10], $0x4000  }
0x12b: {  	[sflag:s10] =	ssyncset.done $0x0  }
0x12c: {  	s0 =	rddreg [dreg:$0x1f];
	[sflag:s10] =	ssyncadd.s32 $0xFFFFC000  }
0x12d: {  	[hbm4b:s0+s2] =	stream.linear.scatter [tilespmem:s6], [sflag:$0x3], $0x4000, $0x38;
	[tilespmem:$0x9000] =	vst v63  }
0x12e: {  	_ =	swait.ge [sflag:s8], $0x4000  }
0x12f: {  	[sflag:s8] =	ssyncset.done $0x0  }
0x130: {  	[sflag:s8] =	ssyncadd.s32 $0xFFFFC000  }
0x131: {  	[tilespmem:s5], [sflag:$0x2] =	stream.indirect.gather [hbm4b:s3+s4], $0x80, s13, s4, $0xb8;
	[tilespmem:$0x9000] =	vst v63  }
0x132: {  	_ =	swait.ge [sflag:s9], $0x4000  }
0x133: {  	s0 =	sld [smem:$0x7EF]  }
0x134: {  	[sflag:s9] =	ssyncset.done $0x0  }
0x135: {  	[sflag:s9] =	ssyncadd.s32 $0xFFFFC000  }
0x136: {  	[hbm4b:s0+s2] =	stream.linear.scatter [tilespmem:s5], [sflag:$0x4], $0x4000, $0x38;
	[tilespmem:$0x9000] =	vst v63  }
0x137: {  	_ =	swait.ge [sflag:s7], $0x4000  }
0x138: {  	[sflag:s7] =	ssyncset.done $0x0  }
0x139: {  	[sflag:s7] =	ssyncadd.s32 $0xFFFFC000  }
0x13a: {  	[tilespmem:s6], [sflag:$0x1] =	stream.indirect.gather [hbm4b:s3+s4], $0x80, s12, s4, $0xb8;
	[tilespmem:$0x9000] =	vst v63  }
0x13b: {  	_ =	swait.ge [sflag:s10], $0x4000  }
0x13c: {  	s0 =	sld [smem:$0x7F0]  }
0x13d: {  	[sflag:s10] =	ssyncset.done $0x0  }
0x13e: {  	[sflag:s10] =	ssyncadd.s32 $0xFFFFC000  }
0x13f: {  	[hbm4b:s0+s2] =	stream.linear.scatter [tilespmem:s6], [sflag:$0x3], $0x4000, $0x38;
	[tilespmem:$0x9000] =	vst v63  }
0x140: {  	_ =	swait.ge [sflag:s8], $0x4000  }
0x141: {  	[sflag:s8] =	ssyncset.done $0x0  }
0x142: {  	[sflag:s8] =	ssyncadd.s32 $0xFFFFC000  }
0x143: {  	[tilespmem:s5], [sflag:$0x2] =	stream.indirect.gather [hbm4b:s3+s4], $0x80, s11, s4, $0xb8;
	[tilespmem:$0x9000] =	vst v63  }
0x144: {  	_ =	swait.ge [sflag:s9], $0x4000  }
0x145: {  	s0 =	sld [smem:$0x7F1]  }
0x146: {  	[sflag:s9] =	ssyncset.done $0x0  }
0x147: {  	p1 =	sne.s32 s1, $0x1;
	[sflag:s9] =	ssyncadd.s32 $0xFFFFC000  }
0x148: {  	[hbm4b:s0+s2] =	stream.linear.scatter [tilespmem:s5], [sflag:$0x4], $0x4000, $0x38;
	[tilespmem:$0x9000] =	vst v63  }
.Ltmp1:
0x149: {  	_ =	swait.ge [sflag:s7], $0x4000;
	(pc) =	sbr.rel @!p1 .LBB2_3-.Ltmp1, $4  }
0x14a: {  	[sflag:s7] =	ssyncset.done $0x0  }
0x14b: {  	[sflag:s7] =	ssyncadd.s32 $0xFFFFC000  }
0x14c: {  	s1 =	sadd.s32 $0xFFFFFFFF, s1;
	_ =	swait.ge [sflag:s8], $0x4000  }
0x14d: {  	p0 =	por $0x1, $0x1;
	s0 =	rddreg [dreg:$0x3];
	[sflag:s8] =	ssyncset.done $0x0  }
.LBB2_2:
0x14e: {  	[sflag:s8] =	ssyncadd.s32 $0xFFFFC000  }
0x14f: {  	[tilespmem:s2], [sflag:$0x5] =	stream.linear.gather [hbm4b:s0+s2], $0x1000, $0x38;
	[tilespmem:$0x9000] =	vst v63  }
0x150: {  	_ =	swait.ge [sflag:s31], $0x1000  }
0x151: {  	[sflag:s31] =	ssyncset.done $0x0  }
0x152: {  	[sflag:s31] =	ssyncadd.s32 $0xFFFFF000  }
0x153: {  	[tilespmem:s6], [sflag:$0x1] =	stream.indirect.gather [hbm4b:s3+s4], $0x80, s2, s4, $0xb8;
	[tilespmem:$0x9000] =	vst v63  }
0x154: {  	_ =	swait.ge [sflag:s10], $0x4000  }
0x155: {  	[sflag:s10] =	ssyncset.done $0x0  }
0x156: {  	[sflag:s10] =	ssyncadd.s32 $0xFFFFC000  }
0x157: {  	[hbm4b:s30+s2] =	stream.linear.scatter [tilespmem:s6], [sflag:$0x3], $0x4000, $0x38;
	[tilespmem:$0x9000] =	vst v63  }
0x158: {  	_ = 	snop  }
0x159: {  	[tilespmem:s5], [sflag:$0x2] =	stream.indirect.gather [hbm4b:s3+s4], $0x80, s4, s4, $0xb8;
	[tilespmem:$0x9000] =	vst v63  }
0x15a: {  	_ =	swait.ge [sflag:s9], $0x4000  }
0x15b: {  	[sflag:s9] =	ssyncset.done $0x0  }
0x15c: {  	s0 =	rddreg [dreg:$0x4];
	[sflag:s9] =	ssyncadd.s32 $0xFFFFC000  }
0x15d: {  	[hbm4b:s0+s2] =	stream.linear.scatter [tilespmem:s5], [sflag:$0x4], $0x4000, $0x38;
	[tilespmem:$0x9000] =	vst v63  }
0x15e: {  	_ =	swait.ge [sflag:s7], $0x4000  }
0x15f: {  	s0 =	sld [smem:$0x7F2]  }
0x160: {  	[sflag:s7] =	ssyncset.done $0x0  }
0x161: {  	[sflag:s7] =	ssyncadd.s32 $0xFFFFC000  }
0x162: {  	[tilespmem:s6], [sflag:$0x1] =	stream.indirect.gather [hbm4b:s3+s4], $0x80, s0, s4, $0xb8;
	[tilespmem:$0x9000] =	vst v63  }
0x163: {  	_ =	swait.ge [sflag:s10], $0x4000  }
0x164: {  	[sflag:s10] =	ssyncset.done $0x0  }
0x165: {  	s0 =	rddreg [dreg:$0x5];
	[sflag:s10] =	ssyncadd.s32 $0xFFFFC000  }
0x166: {  	[hbm4b:s0+s2] =	stream.linear.scatter [tilespmem:s6], [sflag:$0x3], $0x4000, $0x38;
	[tilespmem:$0x9000] =	vst v63  }
0x167: {  	_ =	swait.ge [sflag:s8], $0x4000  }
0x168: {  	s0 =	sld [smem:$0x7F3]  }
0x169: {  	[sflag:s8] =	ssyncset.done $0x0  }
0x16a: {  	[sflag:s8] =	ssyncadd.s32 $0xFFFFC000  }
0x16b: {  	[tilespmem:s5], [sflag:$0x2] =	stream.indirect.gather [hbm4b:s3+s4], $0x80, s0, s4, $0xb8;
	[tilespmem:$0x9000] =	vst v63  }
0x16c: {  	_ =	swait.ge [sflag:s9], $0x4000  }
0x16d: {  	[sflag:s9] =	ssyncset.done $0x0  }
0x16e: {  	s0 =	rddreg [dreg:$0x6];
	[sflag:s9] =	ssyncadd.s32 $0xFFFFC000  }
0x16f: {  	[hbm4b:s0+s2] =	stream.linear.scatter [tilespmem:s5], [sflag:$0x4], $0x4000, $0x38;
	[tilespmem:$0x9000] =	vst v63  }
0x170: {  	_ =	swait.ge [sflag:s7], $0x4000  }
0x171: {  	s0 =	sld [smem:$0x7F4]  }
0x172: {  	[sflag:s7] =	ssyncset.done $0x0  }
0x173: {  	[sflag:s7] =	ssyncadd.s32 $0xFFFFC000  }
0x174: {  	[tilespmem:s6], [sflag:$0x1] =	stream.indirect.gather [hbm4b:s3+s4], $0x80, s0, s4, $0xb8;
	[tilespmem:$0x9000] =	vst v63  }
0x175: {  	_ =	swait.ge [sflag:s10], $0x4000  }
0x176: {  	[sflag:s10] =	ssyncset.done $0x0  }
0x177: {  	s0 =	rddreg [dreg:$0x7];
	[sflag:s10] =	ssyncadd.s32 $0xFFFFC000  }
0x178: {  	[hbm4b:s0+s2] =	stream.linear.scatter [tilespmem:s6], [sflag:$0x3], $0x4000, $0x38;
	[tilespmem:$0x9000] =	vst v63  }
0x179: {  	_ =	swait.ge [sflag:s8], $0x4000  }
0x17a: {  	s0 =	sld [smem:$0x7F5]  }
0x17b: {  	[sflag:s8] =	ssyncset.done $0x0  }
0x17c: {  	[sflag:s8] =	ssyncadd.s32 $0xFFFFC000  }
0x17d: {  	[tilespmem:s5], [sflag:$0x2] =	stream.indirect.gather [hbm4b:s3+s4], $0x80, s0, s4, $0xb8;
	[tilespmem:$0x9000] =	vst v63  }
0x17e: {  	_ =	swait.ge [sflag:s9], $0x4000  }
0x17f: {  	[sflag:s9] =	ssyncset.done $0x0  }
0x180: {  	s0 =	rddreg [dreg:$0x8];
	[sflag:s9] =	ssyncadd.s32 $0xFFFFC000  }
0x181: {  	[hbm4b:s0+s2] =	stream.linear.scatter [tilespmem:s5], [sflag:$0x4], $0x4000, $0x38;
	[tilespmem:$0x9000] =	vst v63  }
0x182: {  	_ =	swait.ge [sflag:s7], $0x4000  }
0x183: {  	s0 =	sld [smem:$0x7F6]  }
0x184: {  	[sflag:s7] =	ssyncset.done $0x0  }
0x185: {  	[sflag:s7] =	ssyncadd.s32 $0xFFFFC000  }
0x186: {  	[tilespmem:s6], [sflag:$0x1] =	stream.indirect.gather [hbm4b:s3+s4], $0x80, s0, s4, $0xb8;
	[tilespmem:$0x9000] =	vst v63  }
0x187: {  	_ =	swait.ge [sflag:s10], $0x4000  }
0x188: {  	[sflag:s10] =	ssyncset.done $0x0  }
0x189: {  	s0 =	rddreg [dreg:$0x9];
	[sflag:s10] =	ssyncadd.s32 $0xFFFFC000  }
0x18a: {  	[hbm4b:s0+s2] =	stream.linear.scatter [tilespmem:s6], [sflag:$0x3], $0x4000, $0x38;
	[tilespmem:$0x9000] =	vst v63  }
0x18b: {  	_ =	swait.ge [sflag:s8], $0x4000  }
0x18c: {  	s0 =	sld [smem:$0x7F7]  }
0x18d: {  	[sflag:s8] =	ssyncset.done $0x0  }
0x18e: {  	[sflag:s8] =	ssyncadd.s32 $0xFFFFC000  }
0x18f: {  	[tilespmem:s5], [sflag:$0x2] =	stream.indirect.gather [hbm4b:s3+s4], $0x80, s0, s4, $0xb8;
	[tilespmem:$0x9000] =	vst v63  }
0x190: {  	_ =	swait.ge [sflag:s9], $0x4000  }
0x191: {  	[sflag:s9] =	ssyncset.done $0x0  }
0x192: {  	s0 =	rddreg [dreg:$0xa];
	[sflag:s9] =	ssyncadd.s32 $0xFFFFC000  }
0x193: {  	[hbm4b:s0+s2] =	stream.linear.scatter [tilespmem:s5], [sflag:$0x4], $0x4000, $0x38;
	[tilespmem:$0x9000] =	vst v63  }
0x194: {  	_ =	swait.ge [sflag:s7], $0x4000  }
0x195: {  	s0 =	sld [smem:$0x7F8]  }
0x196: {  	[sflag:s7] =	ssyncset.done $0x0  }
0x197: {  	[sflag:s7] =	ssyncadd.s32 $0xFFFFC000  }
0x198: {  	[tilespmem:s6], [sflag:$0x1] =	stream.indirect.gather [hbm4b:s3+s4], $0x80, s0, s4, $0xb8;
	[tilespmem:$0x9000] =	vst v63  }
0x199: {  	_ =	swait.ge [sflag:s10], $0x4000  }
0x19a: {  	[sflag:s10] =	ssyncset.done $0x0  }
0x19b: {  	s0 =	rddreg [dreg:$0xb];
	[sflag:s10] =	ssyncadd.s32 $0xFFFFC000  }
0x19c: {  	[hbm4b:s0+s2] =	stream.linear.scatter [tilespmem:s6], [sflag:$0x3], $0x4000, $0x38;
	[tilespmem:$0x9000] =	vst v63  }
0x19d: {  	_ =	swait.ge [sflag:s8], $0x4000  }
0x19e: {  	s0 =	sld [smem:$0x7F9]  }
0x19f: {  	[sflag:s8] =	ssyncset.done $0x0  }
0x1a0: {  	[sflag:s8] =	ssyncadd.s32 $0xFFFFC000  }
0x1a1: {  	[tilespmem:s5], [sflag:$0x2] =	stream.indirect.gather [hbm4b:s3+s4], $0x80, s0, s4, $0xb8;
	[tilespmem:$0x9000] =	vst v63  }
0x1a2: {  	_ =	swait.ge [sflag:s9], $0x4000  }
0x1a3: {  	[sflag:s9] =	ssyncset.done $0x0  }
0x1a4: {  	s0 =	rddreg [dreg:$0xc];
	[sflag:s9] =	ssyncadd.s32 $0xFFFFC000  }
0x1a5: {  	[hbm4b:s0+s2] =	stream.linear.scatter [tilespmem:s5], [sflag:$0x4], $0x4000, $0x38;
	[tilespmem:$0x9000] =	vst v63  }
0x1a6: {  	_ =	swait.ge [sflag:s7], $0x4000  }
0x1a7: {  	s0 =	sld [smem:$0x7FA]  }
0x1a8: {  	[sflag:s7] =	ssyncset.done $0x0  }
0x1a9: {  	[sflag:s7] =	ssyncadd.s32 $0xFFFFC000  }
0x1aa: {  	[tilespmem:s6], [sflag:$0x1] =	stream.indirect.gather [hbm4b:s3+s4], $0x80, s0, s4, $0xb8;
	[tilespmem:$0x9000] =	vst v63  }
0x1ab: {  	_ =	swait.ge [sflag:s10], $0x4000  }
0x1ac: {  	[sflag:s10] =	ssyncset.done $0x0  }
0x1ad: {  	s0 =	rddreg [dreg:$0xd];
	[sflag:s10] =	ssyncadd.s32 $0xFFFFC000  }
0x1ae: {  	[hbm4b:s0+s2] =	stream.linear.scatter [tilespmem:s6], [sflag:$0x3], $0x4000, $0x38;
	[tilespmem:$0x9000] =	vst v63  }
0x1af: {  	_ =	swait.ge [sflag:s8], $0x4000  }
0x1b0: {  	s0 =	sld [smem:$0x7FB]  }
0x1b1: {  	[sflag:s8] =	ssyncset.done $0x0  }
0x1b2: {  	[sflag:s8] =	ssyncadd.s32 $0xFFFFC000  }
0x1b3: {  	[tilespmem:s5], [sflag:$0x2] =	stream.indirect.gather [hbm4b:s3+s4], $0x80, s0, s4, $0xb8;
	[tilespmem:$0x9000] =	vst v63  }
0x1b4: {  	_ =	swait.ge [sflag:s9], $0x4000  }
0x1b5: {  	[sflag:s9] =	ssyncset.done $0x0  }
0x1b6: {  	s0 =	rddreg [dreg:$0xe];
	[sflag:s9] =	ssyncadd.s32 $0xFFFFC000  }
0x1b7: {  	[hbm4b:s0+s2] =	stream.linear.scatter [tilespmem:s5], [sflag:$0x4], $0x4000, $0x38;
	[tilespmem:$0x9000] =	vst v63  }
0x1b8: {  	_ =	swait.ge [sflag:s7], $0x4000  }
0x1b9: {  	s0 =	sld [smem:$0x7FC]  }
0x1ba: {  	[sflag:s7] =	ssyncset.done $0x0  }
0x1bb: {  	[sflag:s7] =	ssyncadd.s32 $0xFFFFC000  }
0x1bc: {  	[tilespmem:s6], [sflag:$0x1] =	stream.indirect.gather [hbm4b:s3+s4], $0x80, s0, s4, $0xb8;
	[tilespmem:$0x9000] =	vst v63  }
0x1bd: {  	_ =	swait.ge [sflag:s10], $0x4000  }
0x1be: {  	[sflag:s10] =	ssyncset.done $0x0  }
0x1bf: {  	s0 =	rddreg [dreg:$0xf];
	[sflag:s10] =	ssyncadd.s32 $0xFFFFC000  }
0x1c0: {  	[hbm4b:s0+s2] =	stream.linear.scatter [tilespmem:s6], [sflag:$0x3], $0x4000, $0x38;
	[tilespmem:$0x9000] =	vst v63  }
0x1c1: {  	_ =	swait.ge [sflag:s8], $0x4000  }
0x1c2: {  	s0 =	sld [smem:$0x7FD]  }
0x1c3: {  	[sflag:s8] =	ssyncset.done $0x0  }
0x1c4: {  	[sflag:s8] =	ssyncadd.s32 $0xFFFFC000  }
0x1c5: {  	[tilespmem:s5], [sflag:$0x2] =	stream.indirect.gather [hbm4b:s3+s4], $0x80, s0, s4, $0xb8;
	[tilespmem:$0x9000] =	vst v63  }
0x1c6: {  	_ =	swait.ge [sflag:s9], $0x4000  }
0x1c7: {  	[sflag:s9] =	ssyncset.done $0x0  }
0x1c8: {  	s0 =	rddreg [dreg:$0x10];
	[sflag:s9] =	ssyncadd.s32 $0xFFFFC000  }
0x1c9: {  	[hbm4b:s0+s2] =	stream.linear.scatter [tilespmem:s5], [sflag:$0x4], $0x4000, $0x38;
	[tilespmem:$0x9000] =	vst v63  }
0x1ca: {  	_ =	swait.ge [sflag:s7], $0x4000  }
0x1cb: {  	[sflag:s7] =	ssyncset.done $0x0  }
0x1cc: {  	[sflag:s7] =	ssyncadd.s32 $0xFFFFC000  }
0x1cd: {  	[tilespmem:s6], [sflag:$0x1] =	stream.indirect.gather [hbm4b:s3+s4], $0x80, s29, s4, $0xb8;
	[tilespmem:$0x9000] =	vst v63  }
0x1ce: {  	_ =	swait.ge [sflag:s10], $0x4000  }
0x1cf: {  	[sflag:s10] =	ssyncset.done $0x0  }
0x1d0: {  	s0 =	rddreg [dreg:$0x11];
	[sflag:s10] =	ssyncadd.s32 $0xFFFFC000  }
0x1d1: {  	[hbm4b:s0+s2] =	stream.linear.scatter [tilespmem:s6], [sflag:$0x3], $0x4000, $0x38;
	[tilespmem:$0x9000] =	vst v63  }
0x1d2: {  	_ =	swait.ge [sflag:s8], $0x4000  }
0x1d3: {  	[sflag:s8] =	ssyncset.done $0x0  }
0x1d4: {  	[sflag:s8] =	ssyncadd.s32 $0xFFFFC000  }
0x1d5: {  	[tilespmem:s5], [sflag:$0x2] =	stream.indirect.gather [hbm4b:s3+s4], $0x80, s28, s4, $0xb8;
	[tilespmem:$0x9000] =	vst v63  }
0x1d6: {  	_ =	swait.ge [sflag:s9], $0x4000  }
0x1d7: {  	[sflag:s9] =	ssyncset.done $0x0  }
0x1d8: {  	s0 =	rddreg [dreg:$0x12];
	[sflag:s9] =	ssyncadd.s32 $0xFFFFC000  }
0x1d9: {  	[hbm4b:s0+s2] =	stream.linear.scatter [tilespmem:s5], [sflag:$0x4], $0x4000, $0x38;
	[tilespmem:$0x9000] =	vst v63  }
0x1da: {  	_ =	swait.ge [sflag:s7], $0x4000  }
0x1db: {  	[sflag:s7] =	ssyncset.done $0x0  }
0x1dc: {  	[sflag:s7] =	ssyncadd.s32 $0xFFFFC000  }
0x1dd: {  	[tilespmem:s6], [sflag:$0x1] =	stream.indirect.gather [hbm4b:s3+s4], $0x80, s26, s4, $0xb8;
	[tilespmem:$0x9000] =	vst v63  }
0x1de: {  	_ =	swait.ge [sflag:s10], $0x4000  }
0x1df: {  	[sflag:s10] =	ssyncset.done $0x0  }
0x1e0: {  	s0 =	rddreg [dreg:$0x13];
	[sflag:s10] =	ssyncadd.s32 $0xFFFFC000  }
0x1e1: {  	[hbm4b:s0+s2] =	stream.linear.scatter [tilespmem:s6], [sflag:$0x3], $0x4000, $0x38;
	[tilespmem:$0x9000] =	vst v63  }
0x1e2: {  	_ =	swait.ge [sflag:s8], $0x4000  }
0x1e3: {  	[sflag:s8] =	ssyncset.done $0x0  }
0x1e4: {  	[sflag:s8] =	ssyncadd.s32 $0xFFFFC000  }
0x1e5: {  	[tilespmem:s5], [sflag:$0x2] =	stream.indirect.gather [hbm4b:s3+s4], $0x80, s25, s4, $0xb8;
	[tilespmem:$0x9000] =	vst v63  }
0x1e6: {  	_ =	swait.ge [sflag:s9], $0x4000  }
0x1e7: {  	[sflag:s9] =	ssyncset.done $0x0  }
0x1e8: {  	s0 =	rddreg [dreg:$0x14];
	[sflag:s9] =	ssyncadd.s32 $0xFFFFC000  }
0x1e9: {  	[hbm4b:s0+s2] =	stream.linear.scatter [tilespmem:s5], [sflag:$0x4], $0x4000, $0x38;
	[tilespmem:$0x9000] =	vst v63  }
0x1ea: {  	_ =	swait.ge [sflag:s7], $0x4000  }
0x1eb: {  	[sflag:s7] =	ssyncset.done $0x0  }
0x1ec: {  	[sflag:s7] =	ssyncadd.s32 $0xFFFFC000  }
0x1ed: {  	[tilespmem:s6], [sflag:$0x1] =	stream.indirect.gather [hbm4b:s3+s4], $0x80, s24, s4, $0xb8;
	[tilespmem:$0x9000] =	vst v63  }
0x1ee: {  	_ =	swait.ge [sflag:s10], $0x4000  }
0x1ef: {  	[sflag:s10] =	ssyncset.done $0x0  }
0x1f0: {  	s0 =	rddreg [dreg:$0x15];
	[sflag:s10] =	ssyncadd.s32 $0xFFFFC000  }
0x1f1: {  	[hbm4b:s0+s2] =	stream.linear.scatter [tilespmem:s6], [sflag:$0x3], $0x4000, $0x38;
	[tilespmem:$0x9000] =	vst v63  }
0x1f2: {  	_ =	swait.ge [sflag:s8], $0x4000  }
0x1f3: {  	[sflag:s8] =	ssyncset.done $0x0  }
0x1f4: {  	[sflag:s8] =	ssyncadd.s32 $0xFFFFC000  }
0x1f5: {  	[tilespmem:s5], [sflag:$0x2] =	stream.indirect.gather [hbm4b:s3+s4], $0x80, s23, s4, $0xb8;
	[tilespmem:$0x9000] =	vst v63  }
0x1f6: {  	_ =	swait.ge [sflag:s9], $0x4000  }
0x1f7: {  	[sflag:s9] =	ssyncset.done $0x0  }
0x1f8: {  	s0 =	rddreg [dreg:$0x16];
	[sflag:s9] =	ssyncadd.s32 $0xFFFFC000  }
0x1f9: {  	[hbm4b:s0+s2] =	stream.linear.scatter [tilespmem:s5], [sflag:$0x4], $0x4000, $0x38;
	[tilespmem:$0x9000] =	vst v63  }
0x1fa: {  	_ =	swait.ge [sflag:s7], $0x4000  }
0x1fb: {  	[sflag:s7] =	ssyncset.done $0x0  }
0x1fc: {  	[sflag:s7] =	ssyncadd.s32 $0xFFFFC000  }
0x1fd: {  	[tilespmem:s6], [sflag:$0x1] =	stream.indirect.gather [hbm4b:s3+s4], $0x80, s22, s4, $0xb8;
	[tilespmem:$0x9000] =	vst v63  }
0x1fe: {  	_ =	swait.ge [sflag:s10], $0x4000  }
0x1ff: {  	[sflag:s10] =	ssyncset.done $0x0  }
0x200: {  	s0 =	rddreg [dreg:$0x17];
	[sflag:s10] =	ssyncadd.s32 $0xFFFFC000  }
0x201: {  	[hbm4b:s0+s2] =	stream.linear.scatter [tilespmem:s6], [sflag:$0x3], $0x4000, $0x38;
	[tilespmem:$0x9000] =	vst v63  }
0x202: {  	_ =	swait.ge [sflag:s8], $0x4000  }
0x203: {  	[sflag:s8] =	ssyncset.done $0x0  }
0x204: {  	[sflag:s8] =	ssyncadd.s32 $0xFFFFC000  }
0x205: {  	[tilespmem:s5], [sflag:$0x2] =	stream.indirect.gather [hbm4b:s3+s4], $0x80, s21, s4, $0xb8;
	[tilespmem:$0x9000] =	vst v63  }
0x206: {  	_ =	swait.ge [sflag:s9], $0x4000  }
0x207: {  	[sflag:s9] =	ssyncset.done $0x0  }
0x208: {  	s0 =	rddreg [dreg:$0x18];
	[sflag:s9] =	ssyncadd.s32 $0xFFFFC000  }
0x209: {  	[hbm4b:s0+s2] =	stream.linear.scatter [tilespmem:s5], [sflag:$0x4], $0x4000, $0x38;
	[tilespmem:$0x9000] =	vst v63  }
0x20a: {  	_ =	swait.ge [sflag:s7], $0x4000  }
0x20b: {  	[sflag:s7] =	ssyncset.done $0x0  }
0x20c: {  	[sflag:s7] =	ssyncadd.s32 $0xFFFFC000  }
0x20d: {  	[tilespmem:s6], [sflag:$0x1] =	stream.indirect.gather [hbm4b:s3+s4], $0x80, s20, s4, $0xb8;
	[tilespmem:$0x9000] =	vst v63  }
0x20e: {  	_ =	swait.ge [sflag:s10], $0x4000  }
0x20f: {  	[sflag:s10] =	ssyncset.done $0x0  }
0x210: {  	s0 =	rddreg [dreg:$0x19];
	[sflag:s10] =	ssyncadd.s32 $0xFFFFC000  }
0x211: {  	[hbm4b:s0+s2] =	stream.linear.scatter [tilespmem:s6], [sflag:$0x3], $0x4000, $0x38;
	[tilespmem:$0x9000] =	vst v63  }
0x212: {  	_ =	swait.ge [sflag:s8], $0x4000  }
0x213: {  	[sflag:s8] =	ssyncset.done $0x0  }
0x214: {  	[sflag:s8] =	ssyncadd.s32 $0xFFFFC000  }
0x215: {  	[tilespmem:s5], [sflag:$0x2] =	stream.indirect.gather [hbm4b:s3+s4], $0x80, s19, s4, $0xb8;
	[tilespmem:$0x9000] =	vst v63  }
0x216: {  	_ =	swait.ge [sflag:s9], $0x4000  }
0x217: {  	[sflag:s9] =	ssyncset.done $0x0  }
0x218: {  	s0 =	rddreg [dreg:$0x1a];
	[sflag:s9] =	ssyncadd.s32 $0xFFFFC000  }
0x219: {  	[hbm4b:s0+s2] =	stream.linear.scatter [tilespmem:s5], [sflag:$0x4], $0x4000, $0x38;
	[tilespmem:$0x9000] =	vst v63  }
0x21a: {  	_ =	swait.ge [sflag:s7], $0x4000  }
0x21b: {  	[sflag:s7] =	ssyncset.done $0x0  }
0x21c: {  	[sflag:s7] =	ssyncadd.s32 $0xFFFFC000  }
0x21d: {  	[tilespmem:s6], [sflag:$0x1] =	stream.indirect.gather [hbm4b:s3+s4], $0x80, s18, s4, $0xb8;
	[tilespmem:$0x9000] =	vst v63  }
0x21e: {  	_ =	swait.ge [sflag:s10], $0x4000  }
0x21f: {  	[sflag:s10] =	ssyncset.done $0x0  }
0x220: {  	s0 =	rddreg [dreg:$0x1b];
	[sflag:s10] =	ssyncadd.s32 $0xFFFFC000  }
0x221: {  	[hbm4b:s0+s2] =	stream.linear.scatter [tilespmem:s6], [sflag:$0x3], $0x4000, $0x38;
	[tilespmem:$0x9000] =	vst v63  }
0x222: {  	_ =	swait.ge [sflag:s8], $0x4000  }
0x223: {  	[sflag:s8] =	ssyncset.done $0x0  }
0x224: {  	[sflag:s8] =	ssyncadd.s32 $0xFFFFC000  }
0x225: {  	[tilespmem:s5], [sflag:$0x2] =	stream.indirect.gather [hbm4b:s3+s4], $0x80, s17, s4, $0xb8;
	[tilespmem:$0x9000] =	vst v63  }
0x226: {  	_ =	swait.ge [sflag:s9], $0x4000  }
0x227: {  	[sflag:s9] =	ssyncset.done $0x0  }
0x228: {  	s0 =	rddreg [dreg:$0x1c];
	[sflag:s9] =	ssyncadd.s32 $0xFFFFC000  }
0x229: {  	[hbm4b:s0+s2] =	stream.linear.scatter [tilespmem:s5], [sflag:$0x4], $0x4000, $0x38;
	[tilespmem:$0x9000] =	vst v63  }
0x22a: {  	_ =	swait.ge [sflag:s7], $0x4000  }
0x22b: {  	[sflag:s7] =	ssyncset.done $0x0  }
0x22c: {  	[sflag:s7] =	ssyncadd.s32 $0xFFFFC000  }
0x22d: {  	[tilespmem:s6], [sflag:$0x1] =	stream.indirect.gather [hbm4b:s3+s4], $0x80, s16, s4, $0xb8;
	[tilespmem:$0x9000] =	vst v63  }
0x22e: {  	_ =	swait.ge [sflag:s10], $0x4000  }
0x22f: {  	[sflag:s10] =	ssyncset.done $0x0  }
0x230: {  	s0 =	rddreg [dreg:$0x1d];
	[sflag:s10] =	ssyncadd.s32 $0xFFFFC000  }
0x231: {  	[hbm4b:s0+s2] =	stream.linear.scatter [tilespmem:s6], [sflag:$0x3], $0x4000, $0x38;
	[tilespmem:$0x9000] =	vst v63  }
0x232: {  	_ =	swait.ge [sflag:s8], $0x4000  }
0x233: {  	[sflag:s8] =	ssyncset.done $0x0  }
0x234: {  	[sflag:s8] =	ssyncadd.s32 $0xFFFFC000  }
0x235: {  	[tilespmem:s5], [sflag:$0x2] =	stream.indirect.gather [hbm4b:s3+s4], $0x80, s15, s4, $0xb8;
	[tilespmem:$0x9000] =	vst v63  }
0x236: {  	_ =	swait.ge [sflag:s9], $0x4000  }
0x237: {  	[sflag:s9] =	ssyncset.done $0x0  }
0x238: {  	s0 =	rddreg [dreg:$0x1e];
	[sflag:s9] =	ssyncadd.s32 $0xFFFFC000  }
0x239: {  	[hbm4b:s0+s2] =	stream.linear.scatter [tilespmem:s5], [sflag:$0x4], $0x4000, $0x38;
	[tilespmem:$0x9000] =	vst v63  }
0x23a: {  	_ =	swait.ge [sflag:s7], $0x4000  }
0x23b: {  	[sflag:s7] =	ssyncset.done $0x0  }
0x23c: {  	[sflag:s7] =	ssyncadd.s32 $0xFFFFC000  }
0x23d: {  	[tilespmem:s6], [sflag:$0x1] =	stream.indirect.gather [hbm4b:s3+s4], $0x80, s14, s4, $0xb8;
	[tilespmem:$0x9000] =	vst v63  }
0x23e: {  	_ =	swait.ge [sflag:s10], $0x4000  }
0x23f: {  	[sflag:s10] =	ssyncset.done $0x0  }
0x240: {  	s0 =	rddreg [dreg:$0x1f];
	[sflag:s10] =	ssyncadd.s32 $0xFFFFC000  }
0x241: {  	[hbm4b:s0+s2] =	stream.linear.scatter [tilespmem:s6], [sflag:$0x3], $0x4000, $0x38;
	[tilespmem:$0x9000] =	vst v63  }
0x242: {  	_ =	swait.ge [sflag:s8], $0x4000  }
0x243: {  	[sflag:s8] =	ssyncset.done $0x0  }
0x244: {  	[sflag:s8] =	ssyncadd.s32 $0xFFFFC000  }
0x245: {  	[tilespmem:s5], [sflag:$0x2] =	stream.indirect.gather [hbm4b:s3+s4], $0x80, s13, s4, $0xb8;
	[tilespmem:$0x9000] =	vst v63  }
0x246: {  	_ =	swait.ge [sflag:s9], $0x4000  }
0x247: {  	s0 =	sld [smem:$0x7EF]  }
0x248: {  	[sflag:s9] =	ssyncset.done $0x0  }
0x249: {  	[sflag:s9] =	ssyncadd.s32 $0xFFFFC000  }
0x24a: {  	[hbm4b:s0+s2] =	stream.linear.scatter [tilespmem:s5], [sflag:$0x4], $0x4000, $0x38;
	[tilespmem:$0x9000] =	vst v63  }
0x24b: {  	_ =	swait.ge [sflag:s7], $0x4000  }
0x24c: {  	[sflag:s7] =	ssyncset.done $0x0  }
0x24d: {  	[sflag:s7] =	ssyncadd.s32 $0xFFFFC000  }
0x24e: {  	[tilespmem:s6], [sflag:$0x1] =	stream.indirect.gather [hbm4b:s3+s4], $0x80, s12, s4, $0xb8;
	[tilespmem:$0x9000] =	vst v63  }
0x24f: {  	_ =	swait.ge [sflag:s10], $0x4000  }
0x250: {  	s0 =	sld [smem:$0x7F0]  }
0x251: {  	[sflag:s10] =	ssyncset.done $0x0  }
0x252: {  	[sflag:s10] =	ssyncadd.s32 $0xFFFFC000  }
0x253: {  	[hbm4b:s0+s2] =	stream.linear.scatter [tilespmem:s6], [sflag:$0x3], $0x4000, $0x38;
	[tilespmem:$0x9000] =	vst v63  }
0x254: {  	_ =	swait.ge [sflag:s8], $0x4000  }
0x255: {  	[sflag:s8] =	ssyncset.done $0x0  }
0x256: {  	[sflag:s8] =	ssyncadd.s32 $0xFFFFC000  }
0x257: {  	[tilespmem:s5], [sflag:$0x2] =	stream.indirect.gather [hbm4b:s3+s4], $0x80, s11, s4, $0xb8;
	[tilespmem:$0x9000] =	vst v63  }
0x258: {  	_ =	swait.ge [sflag:s9], $0x4000  }
0x259: {  	s0 =	sld [smem:$0x7F1]  }
0x25a: {  	[sflag:s9] =	ssyncset.done $0x0  }
0x25b: {  	p1 =	sne.s32 s1, $0x1;
	[sflag:s9] =	ssyncadd.s32 $0xFFFFC000  }
0x25c: {  	[hbm4b:s0+s2] =	stream.linear.scatter [tilespmem:s5], [sflag:$0x4], $0x4000, $0x38;
	[tilespmem:$0x9000] =	vst v63  }
.Ltmp2:
0x25d: {  	_ =	swait.ge [sflag:s7], $0x4000;
	(pc) =	sbr.rel @p1 .LBB2_2-.Ltmp2, $4  }
0x25e: {  	[sflag:s7] =	ssyncset.done $0x0  }
0x25f: {  	[sflag:s7] =	ssyncadd.s32 $0xFFFFC000  }
0x260: {  	_ =	swait.ge [sflag:s8], $0x4000  }
0x261: {  	s1 =	sadd.s32 $0xFFFFFFFF, s1;
	s0 =	rddreg [dreg:$0x3];
	[sflag:s8] =	ssyncset.done $0x0  }
.LBB2_3:
0x262: {  	[sflag:s8] =	ssyncadd.s32 @p0 $0xFFFFC000  }
0x263: {  	[tilespmem:s2], [sflag:$0x5] =	stream.linear.gather [hbm4b:s0+s2], $0x1000, $0x38;
	[tilespmem:$0x9000] =	vst v63  }
0x264: {  	_ =	swait.ge [sflag:s31], $0x1000  }
0x265: {  	[sflag:s31] =	ssyncset.done $0x0  }
0x266: {  	[sflag:s31] =	ssyncadd.s32 $0xFFFFF000  }
0x267: {  	[tilespmem:s6], [sflag:$0x1] =	stream.indirect.gather [hbm4b:s3+s4], $0x80, s2, s4, $0xb8;
	[tilespmem:$0x9000] =	vst v63  }
0x268: {  	_ =	swait.ge [sflag:s10], $0x4000  }
0x269: {  	[sflag:s10] =	ssyncset.done $0x0  }
0x26a: {  	[sflag:s10] =	ssyncadd.s32 $0xFFFFC000  }
0x26b: {  	[hbm4b:s30+s2] =	stream.linear.scatter [tilespmem:s6], [sflag:$0x3], $0x4000, $0x38;
	[tilespmem:$0x9000] =	vst v63  }
0x26c: {  	_ = 	snop  }
0x26d: {  	[tilespmem:s5], [sflag:$0x2] =	stream.indirect.gather [hbm4b:s3+s4], $0x80, s4, s4, $0xb8;
	[tilespmem:$0x9000] =	vst v63  }
0x26e: {  	_ =	swait.ge [sflag:s9], $0x4000  }
0x26f: {  	[sflag:s9] =	ssyncset.done $0x0  }
0x270: {  	s30 =	rddreg [dreg:$0x4];
	[sflag:s9] =	ssyncadd.s32 $0xFFFFC000  }
0x271: {  	[hbm4b:s30+s2] =	stream.linear.scatter [tilespmem:s5], [sflag:$0x4], $0x4000, $0x38;
	[tilespmem:$0x9000] =	vst v63  }
0x272: {  	_ =	swait.ge [sflag:s7], $0x4000  }
0x273: {  	s31 =	sld [smem:$0x7F2]  }
0x274: {  	[sflag:s7] =	ssyncset.done $0x0  }
0x275: {  	[sflag:s7] =	ssyncadd.s32 $0xFFFFC000  }
0x276: {  	[tilespmem:s6], [sflag:$0x1] =	stream.indirect.gather [hbm4b:s3+s4], $0x80, s31, s4, $0xb8;
	[tilespmem:$0x9000] =	vst v63  }
0x277: {  	_ =	swait.ge [sflag:s10], $0x4000  }
0x278: {  	[sflag:s10] =	ssyncset.done $0x0  }
0x279: {  	s1 =	rddreg [dreg:$0x5];
	[sflag:s10] =	ssyncadd.s32 $0xFFFFC000  }
0x27a: {  	[hbm4b:s1+s2] =	stream.linear.scatter [tilespmem:s6], [sflag:$0x3], $0x4000, $0x38;
	[tilespmem:$0x9000] =	vst v63  }
0x27b: {  	_ =	swait.ge [sflag:s8], $0x4000  }
0x27c: {  	s30 =	sld [smem:$0x7F3]  }
0x27d: {  	[sflag:s8] =	ssyncset.done $0x0  }
0x27e: {  	[sflag:s8] =	ssyncadd.s32 $0xFFFFC000  }
0x27f: {  	[tilespmem:s5], [sflag:$0x2] =	stream.indirect.gather [hbm4b:s3+s4], $0x80, s30, s4, $0xb8;
	[tilespmem:$0x9000] =	vst v63  }
0x280: {  	_ =	swait.ge [sflag:s9], $0x4000  }
0x281: {  	[sflag:s9] =	ssyncset.done $0x0  }
0x282: {  	s31 =	rddreg [dreg:$0x6];
	[sflag:s9] =	ssyncadd.s32 $0xFFFFC000  }
0x283: {  	[hbm4b:s31+s2] =	stream.linear.scatter [tilespmem:s5], [sflag:$0x4], $0x4000, $0x38;
	[tilespmem:$0x9000] =	vst v63  }
0x284: {  	_ =	swait.ge [sflag:s7], $0x4000  }
0x285: {  	s1 =	sld [smem:$0x7F4]  }
0x286: {  	[sflag:s7] =	ssyncset.done $0x0  }
0x287: {  	[sflag:s7] =	ssyncadd.s32 $0xFFFFC000  }
0x288: {  	[tilespmem:s6], [sflag:$0x1] =	stream.indirect.gather [hbm4b:s3+s4], $0x80, s1, s4, $0xb8;
	[tilespmem:$0x9000] =	vst v63  }
0x289: {  	_ =	swait.ge [sflag:s10], $0x4000  }
0x28a: {  	[sflag:s10] =	ssyncset.done $0x0  }
0x28b: {  	s30 =	rddreg [dreg:$0x7];
	[sflag:s10] =	ssyncadd.s32 $0xFFFFC000  }
0x28c: {  	[hbm4b:s30+s2] =	stream.linear.scatter [tilespmem:s6], [sflag:$0x3], $0x4000, $0x38;
	[tilespmem:$0x9000] =	vst v63  }
0x28d: {  	_ =	swait.ge [sflag:s8], $0x4000  }
0x28e: {  	s31 =	sld [smem:$0x7F5]  }
0x28f: {  	[sflag:s8] =	ssyncset.done $0x0  }
0x290: {  	[sflag:s8] =	ssyncadd.s32 $0xFFFFC000  }
0x291: {  	[tilespmem:s5], [sflag:$0x2] =	stream.indirect.gather [hbm4b:s3+s4], $0x80, s31, s4, $0xb8;
	[tilespmem:$0x9000] =	vst v63  }
0x292: {  	_ =	swait.ge [sflag:s9], $0x4000  }
0x293: {  	[sflag:s9] =	ssyncset.done $0x0  }
0x294: {  	s1 =	rddreg [dreg:$0x8];
	[sflag:s9] =	ssyncadd.s32 $0xFFFFC000  }
0x295: {  	[hbm4b:s1+s2] =	stream.linear.scatter [tilespmem:s5], [sflag:$0x4], $0x4000, $0x38;
	[tilespmem:$0x9000] =	vst v63  }
0x296: {  	_ =	swait.ge [sflag:s7], $0x4000  }
0x297: {  	s30 =	sld [smem:$0x7F6]  }
0x298: {  	[sflag:s7] =	ssyncset.done $0x0  }
0x299: {  	[sflag:s7] =	ssyncadd.s32 $0xFFFFC000  }
0x29a: {  	[tilespmem:s6], [sflag:$0x1] =	stream.indirect.gather [hbm4b:s3+s4], $0x80, s30, s4, $0xb8;
	[tilespmem:$0x9000] =	vst v63  }
0x29b: {  	_ =	swait.ge [sflag:s10], $0x4000  }
0x29c: {  	[sflag:s10] =	ssyncset.done $0x0  }
0x29d: {  	s31 =	rddreg [dreg:$0x9];
	[sflag:s10] =	ssyncadd.s32 $0xFFFFC000  }
0x29e: {  	[hbm4b:s31+s2] =	stream.linear.scatter [tilespmem:s6], [sflag:$0x3], $0x4000, $0x38;
	[tilespmem:$0x9000] =	vst v63  }
0x29f: {  	_ =	swait.ge [sflag:s8], $0x4000  }
0x2a0: {  	s1 =	sld [smem:$0x7F7]  }
0x2a1: {  	[sflag:s8] =	ssyncset.done $0x0  }
0x2a2: {  	[sflag:s8] =	ssyncadd.s32 $0xFFFFC000  }
0x2a3: {  	[tilespmem:s5], [sflag:$0x2] =	stream.indirect.gather [hbm4b:s3+s4], $0x80, s1, s4, $0xb8;
	[tilespmem:$0x9000] =	vst v63  }
0x2a4: {  	_ =	swait.ge [sflag:s9], $0x4000  }
0x2a5: {  	[sflag:s9] =	ssyncset.done $0x0  }
0x2a6: {  	s30 =	rddreg [dreg:$0xa];
	[sflag:s9] =	ssyncadd.s32 $0xFFFFC000  }
0x2a7: {  	[hbm4b:s30+s2] =	stream.linear.scatter [tilespmem:s5], [sflag:$0x4], $0x4000, $0x38;
	[tilespmem:$0x9000] =	vst v63  }
0x2a8: {  	_ =	swait.ge [sflag:s7], $0x4000  }
0x2a9: {  	s31 =	sld [smem:$0x7F8]  }
0x2aa: {  	[sflag:s7] =	ssyncset.done $0x0  }
0x2ab: {  	[sflag:s7] =	ssyncadd.s32 $0xFFFFC000  }
0x2ac: {  	[tilespmem:s6], [sflag:$0x1] =	stream.indirect.gather [hbm4b:s3+s4], $0x80, s31, s4, $0xb8;
	[tilespmem:$0x9000] =	vst v63  }
0x2ad: {  	_ =	swait.ge [sflag:s10], $0x4000  }
0x2ae: {  	[sflag:s10] =	ssyncset.done $0x0  }
0x2af: {  	s1 =	rddreg [dreg:$0xb];
	[sflag:s10] =	ssyncadd.s32 $0xFFFFC000  }
0x2b0: {  	[hbm4b:s1+s2] =	stream.linear.scatter [tilespmem:s6], [sflag:$0x3], $0x4000, $0x38;
	[tilespmem:$0x9000] =	vst v63  }
0x2b1: {  	_ =	swait.ge [sflag:s8], $0x4000  }
0x2b2: {  	s30 =	sld [smem:$0x7F9]  }
0x2b3: {  	[sflag:s8] =	ssyncset.done $0x0  }
0x2b4: {  	[sflag:s8] =	ssyncadd.s32 $0xFFFFC000  }
0x2b5: {  	[tilespmem:s5], [sflag:$0x2] =	stream.indirect.gather [hbm4b:s3+s4], $0x80, s30, s4, $0xb8;
	[tilespmem:$0x9000] =	vst v63  }
0x2b6: {  	_ =	swait.ge [sflag:s9], $0x4000  }
0x2b7: {  	[sflag:s9] =	ssyncset.done $0x0  }
0x2b8: {  	s31 =	rddreg [dreg:$0xc];
	[sflag:s9] =	ssyncadd.s32 $0xFFFFC000  }
0x2b9: {  	[hbm4b:s31+s2] =	stream.linear.scatter [tilespmem:s5], [sflag:$0x4], $0x4000, $0x38;
	[tilespmem:$0x9000] =	vst v63  }
0x2ba: {  	_ =	swait.ge [sflag:s7], $0x4000  }
0x2bb: {  	s1 =	sld [smem:$0x7FA]  }
0x2bc: {  	[sflag:s7] =	ssyncset.done $0x0  }
0x2bd: {  	[sflag:s7] =	ssyncadd.s32 $0xFFFFC000  }
0x2be: {  	[tilespmem:s6], [sflag:$0x1] =	stream.indirect.gather [hbm4b:s3+s4], $0x80, s1, s4, $0xb8;
	[tilespmem:$0x9000] =	vst v63  }
0x2bf: {  	_ =	swait.ge [sflag:s10], $0x4000  }
0x2c0: {  	[sflag:s10] =	ssyncset.done $0x0  }
0x2c1: {  	s30 =	rddreg [dreg:$0xd];
	[sflag:s10] =	ssyncadd.s32 $0xFFFFC000  }
0x2c2: {  	[hbm4b:s30+s2] =	stream.linear.scatter [tilespmem:s6], [sflag:$0x3], $0x4000, $0x38;
	[tilespmem:$0x9000] =	vst v63  }
0x2c3: {  	_ =	swait.ge [sflag:s8], $0x4000  }
0x2c4: {  	s31 =	sld [smem:$0x7FB]  }
0x2c5: {  	[sflag:s8] =	ssyncset.done $0x0  }
0x2c6: {  	[sflag:s8] =	ssyncadd.s32 $0xFFFFC000  }
0x2c7: {  	[tilespmem:s5], [sflag:$0x2] =	stream.indirect.gather [hbm4b:s3+s4], $0x80, s31, s4, $0xb8;
	[tilespmem:$0x9000] =	vst v63  }
0x2c8: {  	_ =	swait.ge [sflag:s9], $0x4000  }
0x2c9: {  	[sflag:s9] =	ssyncset.done $0x0  }
0x2ca: {  	s1 =	rddreg [dreg:$0xe];
	[sflag:s9] =	ssyncadd.s32 $0xFFFFC000  }
0x2cb: {  	[hbm4b:s1+s2] =	stream.linear.scatter [tilespmem:s5], [sflag:$0x4], $0x4000, $0x38;
	[tilespmem:$0x9000] =	vst v63  }
0x2cc: {  	_ =	swait.ge [sflag:s7], $0x4000  }
0x2cd: {  	s30 =	sld [smem:$0x7FC]  }
0x2ce: {  	[sflag:s7] =	ssyncset.done $0x0  }
0x2cf: {  	[sflag:s7] =	ssyncadd.s32 $0xFFFFC000  }
0x2d0: {  	[tilespmem:s6], [sflag:$0x1] =	stream.indirect.gather [hbm4b:s3+s4], $0x80, s30, s4, $0xb8;
	[tilespmem:$0x9000] =	vst v63  }
0x2d1: {  	_ =	swait.ge [sflag:s10], $0x4000  }
0x2d2: {  	[sflag:s10] =	ssyncset.done $0x0  }
0x2d3: {  	s31 =	rddreg [dreg:$0xf];
	[sflag:s10] =	ssyncadd.s32 $0xFFFFC000  }
0x2d4: {  	[hbm4b:s31+s2] =	stream.linear.scatter [tilespmem:s6], [sflag:$0x3], $0x4000, $0x38;
	[tilespmem:$0x9000] =	vst v63  }
0x2d5: {  	_ =	swait.ge [sflag:s8], $0x4000  }
0x2d6: {  	s1 =	sld [smem:$0x7FD]  }
0x2d7: {  	[sflag:s8] =	ssyncset.done $0x0  }
0x2d8: {  	[sflag:s8] =	ssyncadd.s32 $0xFFFFC000  }
0x2d9: {  	[tilespmem:s5], [sflag:$0x2] =	stream.indirect.gather [hbm4b:s3+s4], $0x80, s1, s4, $0xb8;
	[tilespmem:$0x9000] =	vst v63  }
0x2da: {  	_ =	swait.ge [sflag:s9], $0x4000  }
0x2db: {  	[sflag:s9] =	ssyncset.done $0x0  }
0x2dc: {  	s30 =	rddreg [dreg:$0x10];
	[sflag:s9] =	ssyncadd.s32 $0xFFFFC000  }
0x2dd: {  	[hbm4b:s30+s2] =	stream.linear.scatter [tilespmem:s5], [sflag:$0x4], $0x4000, $0x38;
	[tilespmem:$0x9000] =	vst v63  }
0x2de: {  	_ =	swait.ge [sflag:s7], $0x4000  }
0x2df: {  	[sflag:s7] =	ssyncset.done $0x0  }
0x2e0: {  	[sflag:s7] =	ssyncadd.s32 $0xFFFFC000  }
0x2e1: {  	[tilespmem:s6], [sflag:$0x1] =	stream.indirect.gather [hbm4b:s3+s4], $0x80, s29, s4, $0xb8;
	[tilespmem:$0x9000] =	vst v63  }
0x2e2: {  	_ =	swait.ge [sflag:s10], $0x4000  }
0x2e3: {  	[sflag:s10] =	ssyncset.done $0x0  }
0x2e4: {  	s31 =	rddreg [dreg:$0x11];
	[sflag:s10] =	ssyncadd.s32 $0xFFFFC000  }
0x2e5: {  	[hbm4b:s31+s2] =	stream.linear.scatter [tilespmem:s6], [sflag:$0x3], $0x4000, $0x38;
	[tilespmem:$0x9000] =	vst v63  }
0x2e6: {  	_ =	swait.ge [sflag:s8], $0x4000  }
0x2e7: {  	[sflag:s8] =	ssyncset.done $0x0  }
0x2e8: {  	[sflag:s8] =	ssyncadd.s32 $0xFFFFC000  }
0x2e9: {  	[tilespmem:s5], [sflag:$0x2] =	stream.indirect.gather [hbm4b:s3+s4], $0x80, s28, s4, $0xb8;
	[tilespmem:$0x9000] =	vst v63  }
0x2ea: {  	_ =	swait.ge [sflag:s9], $0x4000  }
0x2eb: {  	[sflag:s9] =	ssyncset.done $0x0  }
0x2ec: {  	s1 =	rddreg [dreg:$0x12];
	[sflag:s9] =	ssyncadd.s32 $0xFFFFC000  }
0x2ed: {  	[hbm4b:s1+s2] =	stream.linear.scatter [tilespmem:s5], [sflag:$0x4], $0x4000, $0x38;
	[tilespmem:$0x9000] =	vst v63  }
0x2ee: {  	_ =	swait.ge [sflag:s7], $0x4000  }
0x2ef: {  	[sflag:s7] =	ssyncset.done $0x0  }
0x2f0: {  	[sflag:s7] =	ssyncadd.s32 $0xFFFFC000  }
0x2f1: {  	[tilespmem:s6], [sflag:$0x1] =	stream.indirect.gather [hbm4b:s3+s4], $0x80, s26, s4, $0xb8;
	[tilespmem:$0x9000] =	vst v63  }
0x2f2: {  	_ =	swait.ge [sflag:s10], $0x4000  }
0x2f3: {  	[sflag:s10] =	ssyncset.done $0x0  }
0x2f4: {  	s26 =	rddreg [dreg:$0x13];
	[sflag:s10] =	ssyncadd.s32 $0xFFFFC000  }
0x2f5: {  	[hbm4b:s26+s2] =	stream.linear.scatter [tilespmem:s6], [sflag:$0x3], $0x4000, $0x38;
	[tilespmem:$0x9000] =	vst v63  }
0x2f6: {  	_ =	swait.ge [sflag:s8], $0x4000  }
0x2f7: {  	[sflag:s8] =	ssyncset.done $0x0  }
0x2f8: {  	[sflag:s8] =	ssyncadd.s32 $0xFFFFC000  }
0x2f9: {  	[tilespmem:s5], [sflag:$0x2] =	stream.indirect.gather [hbm4b:s3+s4], $0x80, s25, s4, $0xb8;
	[tilespmem:$0x9000] =	vst v63  }
0x2fa: {  	_ =	swait.ge [sflag:s9], $0x4000  }
0x2fb: {  	[sflag:s9] =	ssyncset.done $0x0  }
0x2fc: {  	s28 =	rddreg [dreg:$0x14];
	[sflag:s9] =	ssyncadd.s32 $0xFFFFC000  }
0x2fd: {  	[hbm4b:s28+s2] =	stream.linear.scatter [tilespmem:s5], [sflag:$0x4], $0x4000, $0x38;
	[tilespmem:$0x9000] =	vst v63  }
0x2fe: {  	_ =	swait.ge [sflag:s7], $0x4000  }
0x2ff: {  	[sflag:s7] =	ssyncset.done $0x0  }
0x300: {  	[sflag:s7] =	ssyncadd.s32 $0xFFFFC000  }
0x301: {  	[tilespmem:s6], [sflag:$0x1] =	stream.indirect.gather [hbm4b:s3+s4], $0x80, s24, s4, $0xb8;
	[tilespmem:$0x9000] =	vst v63  }
0x302: {  	_ =	swait.ge [sflag:s10], $0x4000  }
0x303: {  	[sflag:s10] =	ssyncset.done $0x0  }
0x304: {  	s29 =	rddreg [dreg:$0x15];
	[sflag:s10] =	ssyncadd.s32 $0xFFFFC000  }
0x305: {  	[hbm4b:s29+s2] =	stream.linear.scatter [tilespmem:s6], [sflag:$0x3], $0x4000, $0x38;
	[tilespmem:$0x9000] =	vst v63  }
0x306: {  	_ =	swait.ge [sflag:s8], $0x4000  }
0x307: {  	[sflag:s8] =	ssyncset.done $0x0  }
0x308: {  	[sflag:s8] =	ssyncadd.s32 $0xFFFFC000  }
0x309: {  	[tilespmem:s5], [sflag:$0x2] =	stream.indirect.gather [hbm4b:s3+s4], $0x80, s23, s4, $0xb8;
	[tilespmem:$0x9000] =	vst v63  }
0x30a: {  	_ =	swait.ge [sflag:s9], $0x4000  }
0x30b: {  	[sflag:s9] =	ssyncset.done $0x0  }
0x30c: {  	s30 =	rddreg [dreg:$0x16];
	[sflag:s9] =	ssyncadd.s32 $0xFFFFC000  }
0x30d: {  	[hbm4b:s30+s2] =	stream.linear.scatter [tilespmem:s5], [sflag:$0x4], $0x4000, $0x38;
	[tilespmem:$0x9000] =	vst v63  }
0x30e: {  	_ =	swait.ge [sflag:s7], $0x4000  }
0x30f: {  	[sflag:s7] =	ssyncset.done $0x0  }
0x310: {  	[sflag:s7] =	ssyncadd.s32 $0xFFFFC000  }
0x311: {  	[tilespmem:s6], [sflag:$0x1] =	stream.indirect.gather [hbm4b:s3+s4], $0x80, s22, s4, $0xb8;
	[tilespmem:$0x9000] =	vst v63  }
0x312: {  	_ =	swait.ge [sflag:s10], $0x4000  }
0x313: {  	[sflag:s10] =	ssyncset.done $0x0  }
0x314: {  	s31 =	rddreg [dreg:$0x17];
	[sflag:s10] =	ssyncadd.s32 $0xFFFFC000  }
0x315: {  	[hbm4b:s31+s2] =	stream.linear.scatter [tilespmem:s6], [sflag:$0x3], $0x4000, $0x38;
	[tilespmem:$0x9000] =	vst v63  }
0x316: {  	_ =	swait.ge [sflag:s8], $0x4000  }
0x317: {  	[sflag:s8] =	ssyncset.done $0x0  }
0x318: {  	[sflag:s8] =	ssyncadd.s32 $0xFFFFC000  }
0x319: {  	[tilespmem:s5], [sflag:$0x2] =	stream.indirect.gather [hbm4b:s3+s4], $0x80, s21, s4, $0xb8;
	[tilespmem:$0x9000] =	vst v63  }
0x31a: {  	_ =	swait.ge [sflag:s9], $0x4000  }
0x31b: {  	[sflag:s9] =	ssyncset.done $0x0  }
0x31c: {  	s1 =	rddreg [dreg:$0x18];
	[sflag:s9] =	ssyncadd.s32 $0xFFFFC000  }
0x31d: {  	[hbm4b:s1+s2] =	stream.linear.scatter [tilespmem:s5], [sflag:$0x4], $0x4000, $0x38;
	[tilespmem:$0x9000] =	vst v63  }
0x31e: {  	_ =	swait.ge [sflag:s7], $0x4000  }
0x31f: {  	[sflag:s7] =	ssyncset.done $0x0  }
0x320: {  	[sflag:s7] =	ssyncadd.s32 $0xFFFFC000  }
0x321: {  	[tilespmem:s6], [sflag:$0x1] =	stream.indirect.gather [hbm4b:s3+s4], $0x80, s20, s4, $0xb8;
	[tilespmem:$0x9000] =	vst v63  }
0x322: {  	_ =	swait.ge [sflag:s10], $0x4000  }
0x323: {  	[sflag:s10] =	ssyncset.done $0x0  }
0x324: {  	s20 =	rddreg [dreg:$0x19];
	[sflag:s10] =	ssyncadd.s32 $0xFFFFC000  }
0x325: {  	[hbm4b:s20+s2] =	stream.linear.scatter [tilespmem:s6], [sflag:$0x3], $0x4000, $0x38;
	[tilespmem:$0x9000] =	vst v63  }
0x326: {  	_ =	swait.ge [sflag:s8], $0x4000  }
0x327: {  	[sflag:s8] =	ssyncset.done $0x0  }
0x328: {  	[sflag:s8] =	ssyncadd.s32 $0xFFFFC000  }
0x329: {  	[tilespmem:s5], [sflag:$0x2] =	stream.indirect.gather [hbm4b:s3+s4], $0x80, s19, s4, $0xb8;
	[tilespmem:$0x9000] =	vst v63  }
0x32a: {  	_ =	swait.ge [sflag:s9], $0x4000  }
0x32b: {  	[sflag:s9] =	ssyncset.done $0x0  }
0x32c: {  	s21 =	rddreg [dreg:$0x1a];
	[sflag:s9] =	ssyncadd.s32 $0xFFFFC000  }
0x32d: {  	[hbm4b:s21+s2] =	stream.linear.scatter [tilespmem:s5], [sflag:$0x4], $0x4000, $0x38;
	[tilespmem:$0x9000] =	vst v63  }
0x32e: {  	_ =	swait.ge [sflag:s7], $0x4000  }
0x32f: {  	[sflag:s7] =	ssyncset.done $0x0  }
0x330: {  	[sflag:s7] =	ssyncadd.s32 $0xFFFFC000  }
0x331: {  	[tilespmem:s6], [sflag:$0x1] =	stream.indirect.gather [hbm4b:s3+s4], $0x80, s18, s4, $0xb8;
	[tilespmem:$0x9000] =	vst v63  }
0x332: {  	_ =	swait.ge [sflag:s10], $0x4000  }
0x333: {  	[sflag:s10] =	ssyncset.done $0x0  }
0x334: {  	s22 =	rddreg [dreg:$0x1b];
	[sflag:s10] =	ssyncadd.s32 $0xFFFFC000  }
0x335: {  	[hbm4b:s22+s2] =	stream.linear.scatter [tilespmem:s6], [sflag:$0x3], $0x4000, $0x38;
	[tilespmem:$0x9000] =	vst v63  }
0x336: {  	_ =	swait.ge [sflag:s8], $0x4000  }
0x337: {  	[sflag:s8] =	ssyncset.done $0x0  }
0x338: {  	[sflag:s8] =	ssyncadd.s32 $0xFFFFC000  }
0x339: {  	[tilespmem:s5], [sflag:$0x2] =	stream.indirect.gather [hbm4b:s3+s4], $0x80, s17, s4, $0xb8;
	[tilespmem:$0x9000] =	vst v63  }
0x33a: {  	_ =	swait.ge [sflag:s9], $0x4000  }
0x33b: {  	[sflag:s9] =	ssyncset.done $0x0  }
0x33c: {  	s23 =	rddreg [dreg:$0x1c];
	[sflag:s9] =	ssyncadd.s32 $0xFFFFC000  }
0x33d: {  	[hbm4b:s23+s2] =	stream.linear.scatter [tilespmem:s5], [sflag:$0x4], $0x4000, $0x38;
	[tilespmem:$0x9000] =	vst v63  }
0x33e: {  	_ =	swait.ge [sflag:s7], $0x4000  }
0x33f: {  	[sflag:s7] =	ssyncset.done $0x0  }
0x340: {  	[sflag:s7] =	ssyncadd.s32 $0xFFFFC000  }
0x341: {  	[tilespmem:s6], [sflag:$0x1] =	stream.indirect.gather [hbm4b:s3+s4], $0x80, s16, s4, $0xb8;
	[tilespmem:$0x9000] =	vst v63  }
0x342: {  	_ =	swait.ge [sflag:s10], $0x4000  }
0x343: {  	[sflag:s10] =	ssyncset.done $0x0  }
0x344: {  	s24 =	rddreg [dreg:$0x1d];
	[sflag:s10] =	ssyncadd.s32 $0xFFFFC000  }
0x345: {  	[hbm4b:s24+s2] =	stream.linear.scatter [tilespmem:s6], [sflag:$0x3], $0x4000, $0x38;
	[tilespmem:$0x9000] =	vst v63  }
0x346: {  	_ =	swait.ge [sflag:s8], $0x4000  }
0x347: {  	[sflag:s8] =	ssyncset.done $0x0  }
0x348: {  	[sflag:s8] =	ssyncadd.s32 $0xFFFFC000  }
0x349: {  	[tilespmem:s5], [sflag:$0x2] =	stream.indirect.gather [hbm4b:s3+s4], $0x80, s15, s4, $0xb8;
	[tilespmem:$0x9000] =	vst v63  }
0x34a: {  	_ =	swait.ge [sflag:s9], $0x4000  }
0x34b: {  	[sflag:s9] =	ssyncset.done $0x0  }
0x34c: {  	s25 =	rddreg [dreg:$0x1e];
	[sflag:s9] =	ssyncadd.s32 $0xFFFFC000  }
0x34d: {  	[hbm4b:s25+s2] =	stream.linear.scatter [tilespmem:s5], [sflag:$0x4], $0x4000, $0x38;
	[tilespmem:$0x9000] =	vst v63  }
0x34e: {  	_ =	swait.ge [sflag:s7], $0x4000  }
0x34f: {  	[sflag:s7] =	ssyncset.done $0x0  }
0x350: {  	[sflag:s7] =	ssyncadd.s32 $0xFFFFC000  }
0x351: {  	[tilespmem:s6], [sflag:$0x1] =	stream.indirect.gather [hbm4b:s3+s4], $0x80, s14, s4, $0xb8;
	[tilespmem:$0x9000] =	vst v63  }
0x352: {  	_ =	swait.ge [sflag:s10], $0x4000  }
0x353: {  	[sflag:s10] =	ssyncset.done $0x0  }
0x354: {  	s26 =	rddreg [dreg:$0x1f];
	[sflag:s10] =	ssyncadd.s32 $0xFFFFC000  }
0x355: {  	[hbm4b:s26+s2] =	stream.linear.scatter [tilespmem:s6], [sflag:$0x3], $0x4000, $0x38;
	[tilespmem:$0x9000] =	vst v63  }
0x356: {  	_ =	swait.ge [sflag:s8], $0x4000  }
0x357: {  	[sflag:s8] =	ssyncset.done $0x0  }
0x358: {  	[sflag:s8] =	ssyncadd.s32 $0xFFFFC000  }
0x359: {  	[tilespmem:s5], [sflag:$0x2] =	stream.indirect.gather [hbm4b:s3+s4], $0x80, s13, s4, $0xb8;
	[tilespmem:$0x9000] =	vst v63  }
0x35a: {  	_ =	swait.ge [sflag:s9], $0x4000  }
0x35b: {  	s28 =	sld [smem:$0x7EF]  }
0x35c: {  	[sflag:s9] =	ssyncset.done $0x0  }
0x35d: {  	[sflag:s9] =	ssyncadd.s32 $0xFFFFC000  }
0x35e: {  	[hbm4b:s28+s2] =	stream.linear.scatter [tilespmem:s5], [sflag:$0x4], $0x4000, $0x38;
	[tilespmem:$0x9000] =	vst v63  }
0x35f: {  	_ =	swait.ge [sflag:s7], $0x4000  }
0x360: {  	[sflag:s7] =	ssyncset.done $0x0  }
0x361: {  	[sflag:s7] =	ssyncadd.s32 $0xFFFFC000  }
0x362: {  	[tilespmem:s6], [sflag:$0x1] =	stream.indirect.gather [hbm4b:s3+s4], $0x80, s12, s4, $0xb8;
	[tilespmem:$0x9000] =	vst v63  }
0x363: {  	_ =	swait.ge [sflag:s10], $0x4000  }
0x364: {  	s29 =	sld [smem:$0x7F0]  }
0x365: {  	[sflag:s10] =	ssyncset.done $0x0  }
0x366: {  	[sflag:s10] =	ssyncadd.s32 $0xFFFFC000  }
0x367: {  	[hbm4b:s29+s2] =	stream.linear.scatter [tilespmem:s6], [sflag:$0x3], $0x4000, $0x38;
	[tilespmem:$0x9000] =	vst v63  }
0x368: {  	_ =	swait.ge [sflag:s8], $0x4000  }
0x369: {  	[sflag:s8] =	ssyncset.done $0x0  }
0x36a: {  	[sflag:s8] =	ssyncadd.s32 $0xFFFFC000  }
0x36b: {  	[tilespmem:s5], [sflag:$0x2] =	stream.indirect.gather [hbm4b:s3+s4], $0x80, s11, s4, $0xb8;
	[tilespmem:$0x9000] =	vst v63  }
0x36c: {  	_ =	swait.ge [sflag:s9], $0x4000  }
0x36d: {  	s30 =	sld [smem:$0x7F1]  }
0x36e: {  	[sflag:s9] =	ssyncset.done $0x0  }
0x36f: {  	[sflag:s9] =	ssyncadd.s32 $0xFFFFC000  }
0x370: {  	[hbm4b:s30+s2] =	stream.linear.scatter [tilespmem:s5], [sflag:$0x4], $0x4000, $0x38;
	[tilespmem:$0x9000] =	vst v63  }
0x371: {  	_ =	swait.ge [sflag:s7], $0x4000  }
0x372: {  	[sflag:s7] =	ssyncset.done $0x0  }
0x373: {  	[sflag:s7] =	ssyncadd.s32 $0xFFFFC000  }
0x374: {  	_ =	swait.ge [sflag:s8], $0x4000  }
0x375: {  	[sflag:s8] =	ssyncset.done $0x0  }
0x376: {  	[sflag:s8] =	ssyncadd.s32 $0xFFFFC000  }
0x377: {  	_ =	sfence.sel $0x180000  }
0x378: {  	[bflag:$0x0] =	sbarrier.arrive $0xFFFF  }
0x379: {  	_ =	strace $0x90000047  }
0x37a: {  	s31 =	stileid.u32;
	[bflag:$0x2] =	sbarrier.arrive $0xFFFF  }
0x37b: {  	p0 =	sne.s32 s31, $0x0;
	s0 =	rddreg [dreg:$0x2]  }
0x37c: {  	s0 =	sadd.s32 @!p0 $0x100000, s0  }
0x37d: {  	[sflag:s0] =	ssyncadd.tile.s32 @!p0 $0x1;
	_ =	shalt  }
.Lfunc_end2:
_tile_overlayer_lowered:
.L_overlay_start_2:
0x37e: {  	(tag) =	ssettag $0x2  }
0x37f: {  	s0 =	rddreg [dreg:$0x0];
	s2 =	stileid.u32  }
0x380: {  	s1 =	rddreg [dreg:$0x1];
	p0 =	sne.s32 s2, $0x0  }
0x381: {  	s3 =	rddreg [dreg:$0x2];
	[bflag:$0x3] =	sbarrier.arrive $0xFFFF;
	s2 =	simm.s32 @!p0 $0x1C05  }
0x382: {  	[timem:s3], [sflag:s2] =	dma.local @!p0 [hbm:s0], s1  }
0x383: {  	s0 =	simm.s32 @!p0 $0x5  }
0x384: {  	_ =	swait.ge @!p0 [sflag:s0], s1  }
0x385: {  	s1 =	ssub.s32 @!p0 $0x0, s1;
	[sflag:s0] =	ssyncset.done @!p0 $0x0  }
0x386: {  	[sflag:s0] =	ssyncadd.s32 @!p0 s1  }
0x387: {  	[bflag:$0x3] =	sbarrier.arrive $0xFFFF  }
0x388: {  	_ =	shalt  }

</sc_bundles>
